<compile_context>
chip_gen: v7x
topology: tpu7x:2x2x1
jax: 0.10.2.dev20260603
libtpu: 0.0.44.dev20260713+nightly
codegen_flags: <defaults>
</compile_context>

<pallas_src>
import dataclasses
import functools

import jax
import jax.numpy as jnp
import numpy as np
from jax import lax
from jax.experimental import pallas as pl
from jax.experimental.pallas import tpu as pltpu
from jax.experimental.pallas import tpu_sc as plsc

H = 8
D = 16
HID = 128
HH = H // 2
PW = HH * D
MW = PW + 16
CHUNK = 80
WROWS = 200
N_TILES = 16


def _proj_body(xu_ref, xi_ref, wu_ref, wi_ref, *out_refs):
    xu = xu_ref[...]
    xi = xi_ref[...]
    pu = jnp.dot(xu, wu_ref[...], preferred_element_type=jnp.float32)
    pi = jnp.dot(xi, wi_ref[...], preferred_element_type=jnp.float32)
    qa_u, qb_u, kva_u, kvb_u, qa_i, qb_i, kva_i, kvb_i = out_refs
    qa_u[...] = pu[:, 0:64]
    qb_u[...] = pu[:, 64:128]
    kva_u[...] = pu[:, 128:256]
    kvb_u[...] = pu[:, 256:384]
    qa_i[...] = pi[:, 0:64]
    qb_i[...] = pi[:, 64:128]
    kva_i[...] = pi[:, 128:256]
    kvb_i[...] = pi[:, 256:384]


def _projections(x_user, x_item, w_u, w_i):
    n_u, _ = x_user.shape
    n_i, _ = x_item.shape
    blk = 2000
    row = lambda i: (i, 0)
    full = lambda i: (0, 0)
    outs = []
    for n in (n_u, n_i):
        outs += [
            jax.ShapeDtypeStruct((n, 64), jnp.float32),
            jax.ShapeDtypeStruct((n, 64), jnp.float32),
            jax.ShapeDtypeStruct((n, 128), jnp.float32),
            jax.ShapeDtypeStruct((n, 128), jnp.float32),
        ]
    return pl.pallas_call(
        _proj_body,
        grid=(n_u // blk,),
        in_specs=[
            pl.BlockSpec((blk, HID), row),
            pl.BlockSpec((blk, HID), row),
            pl.BlockSpec((HID, 3 * HID), full),
            pl.BlockSpec((HID, 3 * HID), full),
        ],
        out_specs=[
            pl.BlockSpec((blk, 64), row),
            pl.BlockSpec((blk, 64), row),
            pl.BlockSpec((blk, 128), row),
            pl.BlockSpec((blk, 128), row),
        ] * 2,
        out_shape=outs,
    )(x_user, x_item, w_u, w_i)


def _edge_phase(kv_all, q_all, src_cat, dst_cat, n_nodes, e_rel):
    ept = e_rel // N_TILES
    nch = ept // CHUNK
    mesh = plsc.VectorSubcoreMesh(core_axis_name="c", subcore_axis_name="s")
    cp = pltpu.CompilerParams(use_tc_tiling_on_sc=False)
    if "needs_layout_passes" in pltpu.CompilerParams.__dataclass_fields__:
        cp = dataclasses.replace(cp, needs_layout_passes=False)

    @functools.partial(
        pl.kernel,
        compiler_params=cp,
        out_type=jax.ShapeDtypeStruct((4 * n_nodes, PW), jnp.float32),
        mesh=mesh,
        scratch_types=[
            [pltpu.VMEM((CHUNK,), jnp.int32)] * 2,
            [pltpu.VMEM((CHUNK,), jnp.int32)] * 2,
            [pltpu.VMEM((CHUNK,), jnp.int32)] * 2,
            [pltpu.VMEM((CHUNK,), jnp.int32)] * 2,
            [pltpu.VMEM((CHUNK, 2 * PW), jnp.float32)] * 2,
            [pltpu.VMEM((CHUNK, PW), jnp.float32)] * 2,
            [pltpu.VMEM((CHUNK, MW), jnp.float32)] * 2,
            pltpu.VMEM((WROWS, MW), jnp.float32),
            pltpu.VMEM((WROWS, PW), jnp.float32),
            pltpu.VMEM_SHARED((n_nodes, MW), jnp.float32),
            [pltpu.SemaphoreType.DMA] * 2,
            [pltpu.SemaphoreType.DMA] * 2,
        ],
    )
    def edge_kernel(kv_hbm, q_hbm, src_hbm, dst_hbm, out_hbm,
                    sidx2, didx2, didxg2, didxs2, kvrows2, qrows2, msg2,
                    wbuf_v, obuf_v, acc_sh, sem_g, sem_sc):
        cid = lax.axis_index("c")
        sid = lax.axis_index("s")
        lanes = lax.iota(jnp.int32, 16)
        zero16 = jnp.zeros((16,), jnp.float32)

        @pl.loop(0, 2)
        def _(p):
            half = p * 2 * n_nodes
            src_off = half + cid * n_nodes
            dst_off = half + n_nodes - cid * n_nodes

            @pl.loop(0, CHUNK)
            def _(j):
                for c in range(MW // 16):
                    msg2[0][j, pl.ds(c * 16, 16)] = zero16
                    msg2[1][j, pl.ds(c * 16, 16)] = zero16

            nzb = n_nodes // CHUNK

            @pl.loop(0, (nzb + N_TILES - 1) // N_TILES)
            def _(i):
                b = sid + N_TILES * i

                @pl.when(b < nzb)
                def _():
                    pltpu.sync_copy(
                        msg2[0],
                        acc_sh.at[pl.ds(b * CHUNK, CHUNK)])

            plsc.subcore_barrier()

            base0 = (cid * e_rel) + sid * ept

            def issue_chunk(par, cc):
                base = base0 + cc * CHUNK
                pltpu.sync_copy(src_hbm.at[pl.ds(base, CHUNK)], sidx2[par])
                pltpu.sync_copy(dst_hbm.at[pl.ds(base, CHUNK)], didx2[par])

                @pl.loop(0, CHUNK, step=16)
                def _(j):
                    sidx2[par][pl.ds(j, 16)] = (
                        sidx2[par][pl.ds(j, 16)] + src_off)
                    didxg2[par][pl.ds(j, 16)] = (
                        didx2[par][pl.ds(j, 16)] + dst_off)

                pltpu.async_copy(kv_hbm.at[sidx2[par]], kvrows2[par],
                                 sem_g[par])
                pltpu.async_copy(q_hbm.at[didxg2[par]], qrows2[par],
                                 sem_g[par])

            def process_chunk(par, cc, prefetch):
                @pl.when(cc >= 2)
                def _():
                    pltpu.make_async_copy(
                        msg2[par],
                        acc_sh.at[didxs2[par]], sem_sc[par]).wait()

                if prefetch:
                    @pl.when(cc + 1 < nch)
                    def _():
                        issue_chunk(1 - par, cc + 1)

                pltpu.make_async_copy(
                    kv_hbm.at[sidx2[par]], kvrows2[par], sem_g[par]).wait()
                pltpu.make_async_copy(
                    q_hbm.at[didxg2[par]], qrows2[par], sem_g[par]).wait()

                kvrows_v = kvrows2[par]
                qrows_v = qrows2[par]
                msg_v = msg2[par]

                ohs = [
                    (lanes == h).astype(jnp.float32) for h in range(HH)]

                @plsc.parallel_loop(0, CHUNK)
                def _(j):
                    evs = []
                    for h in range(HH):
                        kk = kvrows_v[j, pl.ds(h * D, D)]
                        qq = qrows_v[j, pl.ds(h * D, D)]
                        s = jnp.sum(kk * qq)
                        evs.append(jnp.exp(zero16 + s))
                    exvec = ((evs[0] * ohs[0] + evs[1] * ohs[1])
                             + (evs[2] * ohs[2] + evs[3] * ohs[3]))
                    msg_v[j, pl.ds(PW, 16)] = exvec
                    for h in range(HH):
                        vv = kvrows_v[j, pl.ds(PW + h * D, D)]
                        msg_v[j, pl.ds(h * D, D)] = vv * evs[h]

                @pl.loop(0, CHUNK, step=16)
                def _(j):
                    didxs2[par][pl.ds(j, 16)] = didx2[par][pl.ds(j, 16)]

                pltpu.async_copy(msg_v,
                                 acc_sh.at[didxs2[par]], sem_sc[par],
                                 add=True)

            issue_chunk(0, 0)

            @pl.loop(0, (nch + 1) // 2)
            def _(i):
                for par in (0, 1):
                    cc = 2 * i + par

                    @pl.when(cc < nch)
                    def _():
                        process_chunk(par, cc, True)

            pltpu.make_async_copy(
                msg2[(nch - 2) % 2],
                acc_sh.at[didxs2[(nch - 2) % 2]],
                sem_sc[(nch - 2) % 2]).wait()
            pltpu.make_async_copy(
                msg2[(nch - 1) % 2],
                acc_sh.at[didxs2[(nch - 1) % 2]],
                sem_sc[(nch - 1) % 2]).wait()

            plsc.subcore_barrier()

            nwb = n_nodes // WROWS

            @pl.loop(0, (nwb + N_TILES - 1) // N_TILES)
            def _(i):
                b = sid + N_TILES * i

                @pl.when(b < nwb)
                def _():
                    row = b * WROWS
                    pltpu.sync_copy(acc_sh.at[pl.ds(row, WROWS)], wbuf_v)

                    @pl.loop(0, WROWS)
                    def _(j):
                        dvec = wbuf_v[j, pl.ds(PW, 16)]
                        rv = 1.0 / (dvec + 1e-16)
                        for h in range(HH):
                            rh = rv[h]
                            obuf_v[j, pl.ds(h * D, 16)] = (
                                wbuf_v[j, pl.ds(h * D, 16)] * rh)

                    pltpu.sync_copy(
                        obuf_v,
                        out_hbm.at[pl.ds(half + cid * n_nodes + row, WROWS)])

            plsc.subcore_barrier()

    return edge_kernel(kv_all, q_all, src_cat, dst_cat)


def _ln_elu_body(agga_ref, aggb_ref, x_ref, g_ref, b_ref, o_ref):
    y = jnp.concatenate([agga_ref[...], aggb_ref[...]], axis=1) + x_ref[...]
    m = jnp.mean(y, axis=-1, keepdims=True)
    yc = y - m
    v = jnp.mean(yc * yc, axis=-1, keepdims=True)
    yn = yc * lax.rsqrt(v + 1e-5) * g_ref[...] + b_ref[...]
    o_ref[...] = jnp.where(yn > 0, yn, jnp.exp(yn) - 1.0)


def _ln_elu(agga, aggb, x, g, b):
    n = x.shape[0]
    blk = 2000
    return pl.pallas_call(
        _ln_elu_body,
        grid=(n // blk,),
        in_specs=[
            pl.BlockSpec((blk, PW), lambda i: (i, 0)),
            pl.BlockSpec((blk, PW), lambda i: (i, 0)),
            pl.BlockSpec((blk, HID), lambda i: (i, 0)),
            pl.BlockSpec((1, HID), lambda i: (0, 0)),
            pl.BlockSpec((1, HID), lambda i: (0, 0)),
        ],
        out_specs=pl.BlockSpec((blk, HID), lambda i: (i, 0)),
        out_shape=jax.ShapeDtypeStruct((n, HID), jnp.float32),
    )(agga, aggb, x, g.reshape(1, HID), b.reshape(1, HID))


def _fold_k(WK, Wk, mu):
    w = jnp.einsum('chd,hde->che', WK.reshape(HID, H, D), Wk)
    w = w * (mu / np.sqrt(D))[None, :, None]
    return w.reshape(HID, HID)


def _fold_v(WV, Wv):
    return jnp.einsum('chd,hde->che', WV.reshape(HID, H, D), Wv).reshape(HID, HID)


def _w_combined(WQ, WK, Wk, mu, WV, Wv):
    wk = _fold_k(WK, Wk, mu)
    wv = _fold_v(WV, Wv)
    return jnp.concatenate([
        WQ[:, 0:PW], WQ[:, PW:HID],
        wk[:, 0:PW], wv[:, 0:PW],
        wk[:, PW:HID], wv[:, PW:HID],
    ], axis=1)


def kernel(x_user, x_item, edge_index_ui, edge_index_iu, WQ_user, WK_user,
           WV_user, WQ_item, WK_item, WV_item, Wk_ui, Wv_ui, mu_ui, Wk_iu,
           Wv_iu, mu_iu, ln_g_user, ln_b_user, ln_g_item, ln_b_item):
    w_u = _w_combined(WQ_user, WK_user, Wk_ui, mu_ui, WV_user, Wv_ui)
    w_i = _w_combined(WQ_item, WK_item, Wk_iu, mu_iu, WV_item, Wv_iu)

    (qa_u, qb_u, kva_u, kvb_u,
     qa_i, qb_i, kva_i, kvb_i) = _projections(x_user, x_item, w_u, w_i)

    n_user = x_user.shape[0]
    e_rel = edge_index_ui.shape[1]
    kv_all = jnp.concatenate([kva_u, kva_i, kvb_u, kvb_i], axis=0)
    q_all = jnp.concatenate([qa_u, qa_i, qb_u, qb_i], axis=0)
    src_cat = jnp.concatenate(
        [edge_index_ui[0], edge_index_iu[0]]).astype(jnp.int32)
    dst_cat = jnp.concatenate(
        [edge_index_ui[1], edge_index_iu[1]]).astype(jnp.int32)

    agg = _edge_phase(kv_all, q_all, src_cat, dst_cat, n_user, e_rel)
    agga_i = agg[0:n_user]
    agga_u = agg[n_user:2 * n_user]
    aggb_i = agg[2 * n_user:3 * n_user]
    aggb_u = agg[3 * n_user:]

    y_u = _ln_elu(agga_u, aggb_u, x_user, ln_g_user, ln_b_user)
    y_i = _ln_elu(agga_i, aggb_i, x_item, ln_g_item, ln_b_item)
    return jnp.concatenate([y_u, y_i], axis=0)

# --- scband reference (transcript-rebuilt; emitter-appended) ---
"""Pipeline reference for scband-hgtlayer-4286377361444 (READ-ONLY COPY).

The authoritative reference and input builder live on the scoring server;
editing this copy changes nothing except your own understanding.
"""

import jax, jax.numpy as jnp
import numpy as np

H = 8
D = 16
HID = 128
N_USER = 10000
N_ITEM = 10000
E = 160000

def _ln(y, g, b, eps=1e-5):
    m = y.mean(-1, keepdims=True)
    v = ((y - m) ** 2).mean(-1, keepdims=True)
    return (y - m) / jnp.sqrt(v + eps) * g + b

def _rel_agg(Q_dst, K_src, V_src, Wk, Wv, mu, ei, n_dst):
    Kp = jnp.einsum('nhd,hde->nhe', K_src, Wk)
    Vp = jnp.einsum('nhd,hde->nhe', V_src, Wv)
    src, dst = ei[0], ei[1]
    score = (Kp[src] * Q_dst[dst]).sum(-1) / np.sqrt(D)
    score = score * mu
    smax = jax.lax.stop_gradient(jax.ops.segment_max(score, dst, num_segments=n_dst))
    ex = jnp.exp(score - smax[dst])
    den = jax.ops.segment_sum(ex, dst, num_segments=n_dst)
    a = ex / (den[dst] + 1e-16)
    msg = Vp[src] * a[:, :, None]
    return jax.ops.segment_sum(msg, dst, num_segments=n_dst)

def setup_inputs(seed: int = 0):
    key = jax.random.key(seed)
    ks = [jax.random.fold_in(key, i) for i in range(12)]
    s = 1.0 / np.sqrt(HID)
    eyeHD = jnp.tile(jnp.eye(D, dtype=jnp.float32)[None, :, :], (H, 1, 1))
    return {
        'x_user': jax.random.normal(ks[0], (N_USER, HID), dtype=jnp.float32),
        'x_item': jax.random.normal(ks[1], (N_ITEM, HID), dtype=jnp.float32),
        'edge_index_ui': jax.random.randint(ks[2], (2, E), 0, N_USER),
        'edge_index_iu': jax.random.randint(ks[3], (2, E), 0, N_ITEM),
        'WQ_user': jax.random.normal(ks[4], (HID, HID), dtype=jnp.float32) * s,
        'WK_user': jax.random.normal(ks[5], (HID, HID), dtype=jnp.float32) * s,
        'WV_user': jax.random.normal(ks[6], (HID, HID), dtype=jnp.float32) * s,
        'WQ_item': jax.random.normal(ks[7], (HID, HID), dtype=jnp.float32) * s,
        'WK_item': jax.random.normal(ks[8], (HID, HID), dtype=jnp.float32) * s,
        'WV_item': jax.random.normal(ks[9], (HID, HID), dtype=jnp.float32) * s,
        'Wk_ui': eyeHD,
        'Wv_ui': eyeHD,
        'mu_ui': jnp.ones((H,), dtype=jnp.float32),
        'Wk_iu': eyeHD,
        'Wv_iu': eyeHD,
        'mu_iu': jnp.ones((H,), dtype=jnp.float32),
        'ln_g_user': jnp.ones((HID,), dtype=jnp.float32),
        'ln_b_user': jnp.zeros((HID,), dtype=jnp.float32),
        'ln_g_item': jnp.ones((HID,), dtype=jnp.float32),
        'ln_b_item': jnp.zeros((HID,), dtype=jnp.float32),
    }

def reference(x_user, x_item, edge_index_ui, edge_index_iu, WQ_user, WK_user, WV_user, WQ_item, WK_item, WV_item, Wk_ui, Wv_ui, mu_ui, Wk_iu, Wv_iu, mu_iu, ln_g_user, ln_b_user, ln_g_item, ln_b_item):
    Q_u = (x_user @ WQ_user).reshape(-1, H, D)
    K_u = (x_user @ WK_user).reshape(-1, H, D)
    V_u = (x_user @ WV_user).reshape(-1, H, D)
    Q_i = (x_item @ WQ_item).reshape(-1, H, D)
    K_i = (x_item @ WK_item).reshape(-1, H, D)
    V_i = (x_item @ WV_item).reshape(-1, H, D)
    agg_item = _rel_agg(Q_i, K_u, V_u, Wk_ui, Wv_ui, mu_ui, edge_index_ui, N_ITEM)
    agg_user = _rel_agg(Q_u, K_i, V_i, Wk_iu, Wv_iu, mu_iu, edge_index_iu, N_USER)
    y_u = _ln(agg_user.reshape(N_USER, HID) + x_user, ln_g_user, ln_b_user)
    y_i = _ln(agg_item.reshape(N_ITEM, HID) + x_item, ln_g_item, ln_b_item)
    return jnp.concatenate([jax.nn.elu(y_u), jax.nn.elu(y_i)], axis=0)

if __name__ == "__main__":
    import jax
    _d = setup_inputs()
    print(jax.jit(kernel)(*tuple(_d.values())))

</pallas_src>

<mosaic_0001>
#map = affine_map<(d0, d1) -> (0, 0)>
#map1 = affine_map<(d0, d1) -> (0)>
module attributes {stable_mosaic.version = 14 : i64} {
  func.func @edge_kernel(%arg0: i32, %arg1: i32, %arg2: memref<40000x128xf32, #tpu.memory_space<hbm>>, %arg3: memref<40000x64xf32, #tpu.memory_space<hbm>>, %arg4: memref<320000xi32, #tpu.memory_space<hbm>>, %arg5: memref<320000xi32, #tpu.memory_space<hbm>>, %arg6: memref<40000x64xf32, #tpu.memory_space<hbm>>, %arg7: memref<80xi32, #tpu.memory_space<vmem>>, %arg8: memref<80xi32, #tpu.memory_space<vmem>>, %arg9: memref<80xi32, #tpu.memory_space<vmem>>, %arg10: memref<80xi32, #tpu.memory_space<vmem>>, %arg11: memref<80xi32, #tpu.memory_space<vmem>>, %arg12: memref<80xi32, #tpu.memory_space<vmem>>, %arg13: memref<80xi32, #tpu.memory_space<vmem>>, %arg14: memref<80xi32, #tpu.memory_space<vmem>>, %arg15: memref<80x128xf32, #tpu.memory_space<vmem>>, %arg16: memref<80x128xf32, #tpu.memory_space<vmem>>, %arg17: memref<80x64xf32, #tpu.memory_space<vmem>>, %arg18: memref<80x64xf32, #tpu.memory_space<vmem>>, %arg19: memref<80x80xf32, #tpu.memory_space<vmem>>, %arg20: memref<80x80xf32, #tpu.memory_space<vmem>>, %arg21: memref<200x80xf32, #tpu.memory_space<vmem>>, %arg22: memref<200x64xf32, #tpu.memory_space<vmem>>, %arg23: memref<10000x80xf32, #tpu.memory_space<vmem_shared>>, %arg24: memref<!tpu.dma_semaphore, #tpu.memory_space<semaphore_mem>>, %arg25: memref<!tpu.dma_semaphore, #tpu.memory_space<semaphore_mem>>, %arg26: memref<!tpu.dma_semaphore, #tpu.memory_space<semaphore_mem>>, %arg27: memref<!tpu.dma_semaphore, #tpu.memory_space<semaphore_mem>>) attributes {dimension_semantics = [#tpu.dimension_semantics<core_parallel>, #tpu.dimension_semantics<subcore_parallel>], iteration_bounds = array<i64: 2, 16>, scalar_prefetch = 0 : i64, scratch_operands = 21 : i64, tpu.core_type = #tpu.core_type<sc_vector_subcore>, window_params = [{transform_indices = #map}, {transform_indices = #map}, {transform_indices = #map1}, {transform_indices = #map1}, {transform_indices = #map}]} {
    %iota3A = tpu.iota {dimensions = array<i32: 0>} : vector<16xi32>
    %broadcast_in_dim3A = arith.constant 0.000000e+00 : f32
    %broadcast_in_dim3A_0 = vector.broadcast %broadcast_in_dim3A : f32 to vector<16xf32>
    %scan3A = arith.constant 0 : i32
    %scan3A_1 = arith.constant 2 : i32
    %scan3A_2 = arith.addi %scan3A, %scan3A_1 : i32
    %scan3A_3 = arith.constant 1 : i32
    scf.for %scan3A_5 = %scan3A to %scan3A_2 step %scan3A_3  : i32 {
      %mul3A = arith.constant 1 : i32
      %mul3A_6 = arith.muli %scan3A_5, %mul3A : i32
      %add3A = arith.constant 0 : i32
      %add3A_7 = arith.addi %add3A, %mul3A_6 : i32
      %mul3A_8 = arith.constant 2 : i32
      %mul3A_9 = arith.muli %add3A_7, %mul3A_8 : i32
      %mul3A_10 = arith.constant 10000 : i32
      %mul3A_11 = arith.muli %mul3A_9, %mul3A_10 : i32
      %mul3A_12 = arith.constant 10000 : i32
      %mul3A_13 = arith.muli %arg0, %mul3A_12 : i32
      %add3A_14 = arith.addi %mul3A_11, %mul3A_13 : i32
      %add3A_15 = arith.constant 10000 : i32
      %add3A_16 = arith.addi %mul3A_11, %add3A_15 : i32
      %mul3A_17 = arith.constant 10000 : i32
      %mul3A_18 = arith.muli %arg0, %mul3A_17 : i32
      %sub3A = arith.subi %add3A_16, %mul3A_18 : i32
      %scan3A_19 = arith.constant 0 : i32
      %scan3A_20 = arith.constant 80 : i32
      %scan3A_21 = arith.addi %scan3A_19, %scan3A_20 : i32
      %scan3A_22 = arith.constant 1 : i32
      scf.for %scan3A_63 = %scan3A_19 to %scan3A_21 step %scan3A_22  : i32 {
        %mul3A_64 = arith.constant 1 : i32
        %mul3A_65 = arith.muli %scan3A_63, %mul3A_64 : i32
        %add3A_66 = arith.constant 0 : i32
        %add3A_67 = arith.addi %add3A_66, %mul3A_65 : i32
        %swap3A = arith.index_cast %add3A_67 : i32 to index
        %swap3A_68 = arith.constant 0 : index
        %swap3A_69 = tpu.vector_load %arg19[%swap3A, %swap3A_68] {strides = array<i32>} : memref<80x80xf32, #tpu.memory_space<vmem>>, vector<16xf32>,
        tpu.vector_store %arg19[%swap3A, %swap3A_68], %broadcast_in_dim3A_0 {strides = array<i32>} : memref<80x80xf32, #tpu.memory_space<vmem>>, vector<16xf32>,
        %swap3A_70 = arith.index_cast %add3A_67 : i32 to index
        %swap3A_71 = arith.constant 0 : index
        %swap3A_72 = tpu.vector_load %arg20[%swap3A_70, %swap3A_71] {strides = array<i32>} : memref<80x80xf32, #tpu.memory_space<vmem>>, vector<16xf32>,
        tpu.vector_store %arg20[%swap3A_70, %swap3A_71], %broadcast_in_dim3A_0 {strides = array<i32>} : memref<80x80xf32, #tpu.memory_space<vmem>>, vector<16xf32>,
        %swap3A_73 = arith.index_cast %add3A_67 : i32 to index
        %swap3A_74 = arith.constant 16 : index
        %swap3A_75 = tpu.vector_load %arg19[%swap3A_73, %swap3A_74] {strides = array<i32>} : memref<80x80xf32, #tpu.memory_space<vmem>>, vector<16xf32>,
        tpu.vector_store %arg19[%swap3A_73, %swap3A_74], %broadcast_in_dim3A_0 {strides = array<i32>} : memref<80x80xf32, #tpu.memory_space<vmem>>, vector<16xf32>,
        %swap3A_76 = arith.index_cast %add3A_67 : i32 to index
        %swap3A_77 = arith.constant 16 : index
        %swap3A_78 = tpu.vector_load %arg20[%swap3A_76, %swap3A_77] {strides = array<i32>} : memref<80x80xf32, #tpu.memory_space<vmem>>, vector<16xf32>,
        tpu.vector_store %arg20[%swap3A_76, %swap3A_77], %broadcast_in_dim3A_0 {strides = array<i32>} : memref<80x80xf32, #tpu.memory_space<vmem>>, vector<16xf32>,
        %swap3A_79 = arith.index_cast %add3A_67 : i32 to index
        %swap3A_80 = arith.constant 32 : index
        %swap3A_81 = tpu.vector_load %arg19[%swap3A_79, %swap3A_80] {strides = array<i32>} : memref<80x80xf32, #tpu.memory_space<vmem>>, vector<16xf32>,
        tpu.vector_store %arg19[%swap3A_79, %swap3A_80], %broadcast_in_dim3A_0 {strides = array<i32>} : memref<80x80xf32, #tpu.memory_space<vmem>>, vector<16xf32>,
        %swap3A_82 = arith.index_cast %add3A_67 : i32 to index
        %swap3A_83 = arith.constant 32 : index
        %swap3A_84 = tpu.vector_load %arg20[%swap3A_82, %swap3A_83] {strides = array<i32>} : memref<80x80xf32, #tpu.memory_space<vmem>>, vector<16xf32>,
        tpu.vector_store %arg20[%swap3A_82, %swap3A_83], %broadcast_in_dim3A_0 {strides = array<i32>} : memref<80x80xf32, #tpu.memory_space<vmem>>, vector<16xf32>,
        %swap3A_85 = arith.index_cast %add3A_67 : i32 to index
        %swap3A_86 = arith.constant 48 : index
        %swap3A_87 = tpu.vector_load %arg19[%swap3A_85, %swap3A_86] {strides = array<i32>} : memref<80x80xf32, #tpu.memory_space<vmem>>, vector<16xf32>,
        tpu.vector_store %arg19[%swap3A_85, %swap3A_86], %broadcast_in_dim3A_0 {strides = array<i32>} : memref<80x80xf32, #tpu.memory_space<vmem>>, vector<16xf32>,
        %swap3A_88 = arith.index_cast %add3A_67 : i32 to index
        %swap3A_89 = arith.constant 48 : index
        %swap3A_90 = tpu.vector_load %arg20[%swap3A_88, %swap3A_89] {strides = array<i32>} : memref<80x80xf32, #tpu.memory_space<vmem>>, vector<16xf32>,
        tpu.vector_store %arg20[%swap3A_88, %swap3A_89], %broadcast_in_dim3A_0 {strides = array<i32>} : memref<80x80xf32, #tpu.memory_space<vmem>>, vector<16xf32>,
        %swap3A_91 = arith.index_cast %add3A_67 : i32 to index
        %swap3A_92 = arith.constant 64 : index
        %swap3A_93 = tpu.vector_load %arg19[%swap3A_91, %swap3A_92] {strides = array<i32>} : memref<80x80xf32, #tpu.memory_space<vmem>>, vector<16xf32>,
        tpu.vector_store %arg19[%swap3A_91, %swap3A_92], %broadcast_in_dim3A_0 {strides = array<i32>} : memref<80x80xf32, #tpu.memory_space<vmem>>, vector<16xf32>,
        %swap3A_94 = arith.index_cast %add3A_67 : i32 to index
        %swap3A_95 = arith.constant 64 : index
        %swap3A_96 = tpu.vector_load %arg20[%swap3A_94, %swap3A_95] {strides = array<i32>} : memref<80x80xf32, #tpu.memory_space<vmem>>, vector<16xf32>,
        tpu.vector_store %arg20[%swap3A_94, %swap3A_95], %broadcast_in_dim3A_0 {strides = array<i32>} : memref<80x80xf32, #tpu.memory_space<vmem>>, vector<16xf32>,
      }
      %scan3A_23 = arith.constant 80 : i32
      %scan3A_24 = arith.constant 0 : i32
      %scan3A_25 = arith.constant 8 : i32
      %scan3A_26 = arith.addi %scan3A_24, %scan3A_25 : i32
      %scan3A_27 = arith.constant 1 : i32
      scf.for %scan3A_63 = %scan3A_24 to %scan3A_26 step %scan3A_27  : i32 {
        %mul3A_64 = arith.constant 1 : i32
        %mul3A_65 = arith.muli %scan3A_63, %mul3A_64 : i32
        %add3A_66 = arith.constant 0 : i32
        %add3A_67 = arith.addi %add3A_66, %mul3A_65 : i32
        %mul3A_68 = arith.constant 16 : i32
        %mul3A_69 = arith.muli %mul3A_68, %add3A_67 : i32
        %add3A_70 = arith.addi %arg1, %mul3A_69 : i32
        %lt3A = arith.constant 125 : i32
        %lt3A_71 = arith.cmpi slt, %add3A_70, %lt3A : i32
        %convert_element_type3A = arith.extui %lt3A_71 : i1 to i32
        %cond3A = arith.constant 0 : i32
        %cond3A_72 = arith.cmpi ne, %convert_element_type3A, %cond3A : i32
        scf.if %cond3A_72 {
          %mul3A_73 = arith.constant 80 : i32
          %mul3A_74 = arith.muli %add3A_70, %mul3A_73 : i32
          "tpu.region"() ({
            %run_scoped3A = tpu.sem_alloc : memref<!tpu.dma_semaphore, #tpu.memory_space<semaphore_mem>>
            %dma_start3A_75 = arith.constant 0 : i32
            %dma_start3A_76 = tpu.memref_slice %arg23[%mul3A_74, %dma_start3A_75] : memref<10000x80xf32, #tpu.memory_space<vmem_shared>> -> memref<80x80xf32, #tpu.memory_space<vmem_shared>>
            %dma_start3A_77 = arith.constant 0 : i32
            %dma_start3A_78 = tpu.memref_slice %arg23[%mul3A_74, %dma_start3A_77] : memref<10000x80xf32, #tpu.memory_space<vmem_shared>> -> memref<80x80xf32, #tpu.memory_space<vmem_shared>>
            tpu.enqueue_dma source(%arg19 : memref<80x80xf32, #tpu.memory_space<vmem>>) target(%dma_start3A_78 : memref<80x80xf32, #tpu.memory_space<vmem_shared>>) target_semaphore(%run_scoped3A : memref<!tpu.dma_semaphore, #tpu.memory_space<semaphore_mem>>)
            %dma_wait3A_79 = arith.constant 0 : i32
            %dma_wait3A_80 = tpu.memref_slice %arg23[%mul3A_74, %dma_wait3A_79] : memref<10000x80xf32, #tpu.memory_space<vmem_shared>> -> memref<80x80xf32, #tpu.memory_space<vmem_shared>>
            %dma_wait3A_81 = arith.constant 0 : i32
            %dma_wait3A_82 = tpu.memref_slice %arg23[%mul3A_74, %dma_wait3A_81] : memref<10000x80xf32, #tpu.memory_space<vmem_shared>> -> memref<80x80xf32, #tpu.memory_space<vmem_shared>>
            tpu.wait_dma2 semaphore(%run_scoped3A : memref<!tpu.dma_semaphore, #tpu.memory_space<semaphore_mem>>) src(%arg19 : memref<80x80xf32, #tpu.memory_space<vmem>>) dst(%dma_wait3A_82 : memref<80x80xf32, #tpu.memory_space<vmem_shared>>)
            tpu.yield
          }) : () -> ()
        } else {
        }
      }
      %scan3A_28 = arith.constant 8 : i32
      %barrier3A = arith.constant 0 : index
      tpu.barrier barrier_id(%barrier3A)
      %mul3A_29 = arith.constant 160000 : i32
      %mul3A_30 = arith.muli %arg0, %mul3A_29 : i32
      %mul3A_31 = arith.constant 10000 : i32
      %mul3A_32 = arith.muli %arg1, %mul3A_31 : i32
      %add3A_33 = arith.addi %mul3A_30, %mul3A_32 : i32
      %add3A_34 = arith.constant 0 : i32
      %add3A_35 = arith.addi %add3A_33, %add3A_34 : i32
      "tpu.region"() ({
        %run_scoped3A = tpu.sem_alloc : memref<!tpu.dma_semaphore, #tpu.memory_space<semaphore_mem>>
        %dma_start3A_63 = tpu.memref_slice %arg4[%add3A_35] : memref<320000xi32, #tpu.memory_space<hbm>> -> memref<80xi32, #tpu.memory_space<hbm>>
        %dma_start3A_64 = tpu.memref_slice %arg4[%add3A_35] : memref<320000xi32, #tpu.memory_space<hbm>> -> memref<80xi32, #tpu.memory_space<hbm>>
        tpu.enqueue_dma source(%dma_start3A_64 : memref<80xi32, #tpu.memory_space<hbm>>) target(%arg7 : memref<80xi32, #tpu.memory_space<vmem>>) target_semaphore(%run_scoped3A : memref<!tpu.dma_semaphore, #tpu.memory_space<semaphore_mem>>)
        %dma_wait3A_65 = tpu.memref_slice %arg4[%add3A_35] : memref<320000xi32, #tpu.memory_space<hbm>> -> memref<80xi32, #tpu.memory_space<hbm>>
        %dma_wait3A_66 = tpu.memref_slice %arg4[%add3A_35] : memref<320000xi32, #tpu.memory_space<hbm>> -> memref<80xi32, #tpu.memory_space<hbm>>
        tpu.wait_dma2 semaphore(%run_scoped3A : memref<!tpu.dma_semaphore, #tpu.memory_space<semaphore_mem>>) src(%dma_wait3A_66 : memref<80xi32, #tpu.memory_space<hbm>>) dst(%arg7 : memref<80xi32, #tpu.memory_space<vmem>>)
        tpu.yield
      }) : () -> ()
      "tpu.region"() ({
        %run_scoped3A = tpu.sem_alloc : memref<!tpu.dma_semaphore, #tpu.memory_space<semaphore_mem>>
        %dma_start3A_63 = tpu.memref_slice %arg5[%add3A_35] : memref<320000xi32, #tpu.memory_space<hbm>> -> memref<80xi32, #tpu.memory_space<hbm>>
        %dma_start3A_64 = tpu.memref_slice %arg5[%add3A_35] : memref<320000xi32, #tpu.memory_space<hbm>> -> memref<80xi32, #tpu.memory_space<hbm>>
        tpu.enqueue_dma source(%dma_start3A_64 : memref<80xi32, #tpu.memory_space<hbm>>) target(%arg9 : memref<80xi32, #tpu.memory_space<vmem>>) target_semaphore(%run_scoped3A : memref<!tpu.dma_semaphore, #tpu.memory_space<semaphore_mem>>)
        %dma_wait3A_65 = tpu.memref_slice %arg5[%add3A_35] : memref<320000xi32, #tpu.memory_space<hbm>> -> memref<80xi32, #tpu.memory_space<hbm>>
        %dma_wait3A_66 = tpu.memref_slice %arg5[%add3A_35] : memref<320000xi32, #tpu.memory_space<hbm>> -> memref<80xi32, #tpu.memory_space<hbm>>
        tpu.wait_dma2 semaphore(%run_scoped3A : memref<!tpu.dma_semaphore, #tpu.memory_space<semaphore_mem>>) src(%dma_wait3A_66 : memref<80xi32, #tpu.memory_space<hbm>>) dst(%arg9 : memref<80xi32, #tpu.memory_space<vmem>>)
        tpu.yield
      }) : () -> ()
      %scan3A_36 = arith.constant 0 : i32
      %scan3A_37 = arith.constant 5 : i32
      %scan3A_38 = arith.addi %scan3A_36, %scan3A_37 : i32
      %scan3A_39 = arith.constant 1 : i32
      scf.for %scan3A_63 = %scan3A_36 to %scan3A_38 step %scan3A_39  : i32 {
        %mul3A_64 = arith.constant 16 : i32
        %mul3A_65 = arith.muli %scan3A_63, %mul3A_64 : i32
        %add3A_66 = arith.constant 0 : i32
        %add3A_67 = arith.addi %add3A_66, %mul3A_65 : i32
        %get3A = arith.index_cast %add3A_67 : i32 to index
        %get3A_68 = tpu.vector_load %arg7[%get3A] {strides = array<i32>} : memref<80xi32, #tpu.memory_space<vmem>>, vector<16xi32>,
        %add3A_69 = vector.broadcast %add3A_14 : i32 to vector<16xi32>
        %add3A_70 = arith.addi %get3A_68, %add3A_69 : vector<16xi32>
        %swap3A = arith.index_cast %add3A_67 : i32 to index
        %swap3A_71 = tpu.vector_load %arg7[%swap3A] {strides = array<i32>} : memref<80xi32, #tpu.memory_space<vmem>>, vector<16xi32>,
        tpu.vector_store %arg7[%swap3A], %add3A_70 {strides = array<i32>} : memref<80xi32, #tpu.memory_space<vmem>>, vector<16xi32>,
        %get3A_72 = arith.index_cast %add3A_67 : i32 to index
        %get3A_73 = tpu.vector_load %arg9[%get3A_72] {strides = array<i32>} : memref<80xi32, #tpu.memory_space<vmem>>, vector<16xi32>,
        %add3A_74 = vector.broadcast %sub3A : i32 to vector<16xi32>
        %add3A_75 = arith.addi %get3A_73, %add3A_74 : vector<16xi32>
        %swap3A_76 = arith.index_cast %add3A_67 : i32 to index
        %swap3A_77 = tpu.vector_load %arg11[%swap3A_76] {strides = array<i32>} : memref<80xi32, #tpu.memory_space<vmem>>, vector<16xi32>,
        tpu.vector_store %arg11[%swap3A_76], %add3A_75 {strides = array<i32>} : memref<80xi32, #tpu.memory_space<vmem>>, vector<16xi32>,
      }
      %scan3A_40 = arith.constant 5 : i32
      %dma_start3A = arith.constant 0 : i32
      %dma_start3A_41 = arith.constant 0 : i32
      %dma_start3A_42 = tpu.memref_slice %arg2[%dma_start3A, %dma_start3A_41] : memref<40000x128xf32, #tpu.memory_space<hbm>> -> memref<40000x128xf32, #tpu.memory_space<hbm>>
      tpu.enqueue_indirect_dma source(%dma_start3A_42 : memref<40000x128xf32, #tpu.memory_space<hbm>>) target(%arg15 : memref<80x128xf32, #tpu.memory_space<vmem>>) offsets(%arg7 : memref<80xi32, #tpu.memory_space<vmem>>) semaphore(%arg24 : memref<!tpu.dma_semaphore, #tpu.memory_space<semaphore_mem>>)
      %dma_start3A_43 = arith.constant 0 : i32
      %dma_start3A_44 = arith.constant 0 : i32
      %dma_start3A_45 = tpu.memref_slice %arg3[%dma_start3A_43, %dma_start3A_44] : memref<40000x64xf32, #tpu.memory_space<hbm>> -> memref<40000x64xf32, #tpu.memory_space<hbm>>
      tpu.enqueue_indirect_dma source(%dma_start3A_45 : memref<40000x64xf32, #tpu.memory_space<hbm>>) target(%arg17 : memref<80x64xf32, #tpu.memory_space<vmem>>) offsets(%arg11 : memref<80xi32, #tpu.memory_space<vmem>>) semaphore(%arg24 : memref<!tpu.dma_semaphore, #tpu.memory_space<semaphore_mem>>)
      %scan3A_46 = arith.constant 0 : i32
      %scan3A_47 = arith.constant 63 : i32
      %scan3A_48 = arith.addi %scan3A_46, %scan3A_47 : i32
      %scan3A_49 = arith.constant 1 : i32
      scf.for %scan3A_63 = %scan3A_46 to %scan3A_48 step %scan3A_49  : i32 {
        %mul3A_64 = arith.constant 1 : i32
        %mul3A_65 = arith.muli %scan3A_63, %mul3A_64 : i32
        %add3A_66 = arith.constant 0 : i32
        %add3A_67 = arith.addi %add3A_66, %mul3A_65 : i32
        %mul3A_68 = arith.constant 2 : i32
        %mul3A_69 = arith.muli %mul3A_68, %add3A_67 : i32
        %add3A_70 = arith.constant 0 : i32
        %add3A_71 = arith.addi %mul3A_69, %add3A_70 : i32
        %lt3A = arith.constant 125 : i32
        %lt3A_72 = arith.cmpi slt, %add3A_71, %lt3A : i32
        %convert_element_type3A = arith.extui %lt3A_72 : i1 to i32
        %cond3A = arith.constant 0 : i32
        %cond3A_73 = arith.cmpi ne, %convert_element_type3A, %cond3A : i32
        scf.if %cond3A_73 {
          %ge3A = arith.constant 2 : i32
          %ge3A_83 = arith.cmpi sge, %add3A_71, %ge3A : i32
          %convert_element_type3A_84 = arith.extui %ge3A_83 : i1 to i32
          %cond3A_85 = arith.constant 0 : i32
          %cond3A_86 = arith.cmpi ne, %convert_element_type3A_84, %cond3A_85 : i32
          scf.if %cond3A_86 {
            %dma_wait3A_129 = arith.constant 0 : i32
            %dma_wait3A_130 = arith.constant 0 : i32
            %dma_wait3A_131 = tpu.memref_slice %arg23[%dma_wait3A_129, %dma_wait3A_130] : memref<10000x80xf32, #tpu.memory_space<vmem_shared>> -> memref<10000x80xf32, #tpu.memory_space<vmem_shared>>
            tpu.wait_indirect_dma semaphore(%arg26 : memref<!tpu.dma_semaphore, #tpu.memory_space<semaphore_mem>>) src(%arg19 : memref<80x80xf32, #tpu.memory_space<vmem>>) dst(%dma_wait3A_131 : memref<10000x80xf32, #tpu.memory_space<vmem_shared>>)
          } else {
          }
          %add3A_87 = arith.constant 1 : i32
          %add3A_88 = arith.addi %add3A_71, %add3A_87 : i32
          %lt3A_89 = arith.constant 125 : i32
          %lt3A_90 = arith.cmpi slt, %add3A_88, %lt3A_89 : i32
          %convert_element_type3A_91 = arith.extui %lt3A_90 : i1 to i32
          %cond3A_92 = arith.constant 0 : i32
          %cond3A_93 = arith.cmpi ne, %convert_element_type3A_91, %cond3A_92 : i32
          scf.if %cond3A_93 {
            %add3A_129 = arith.constant 1 : i32
            %add3A_130 = arith.addi %add3A_71, %add3A_129 : i32
            %mul3A_131 = arith.constant 80 : i32
            %mul3A_132 = arith.muli %add3A_130, %mul3A_131 : i32
            %add3A_133 = arith.addi %add3A_33, %mul3A_132 : i32
            "tpu.region"() ({
              %run_scoped3A = tpu.sem_alloc : memref<!tpu.dma_semaphore, #tpu.memory_space<semaphore_mem>>
              %dma_start3A_145 = tpu.memref_slice %arg4[%add3A_133] : memref<320000xi32, #tpu.memory_space<hbm>> -> memref<80xi32, #tpu.memory_space<hbm>>
              %dma_start3A_146 = tpu.memref_slice %arg4[%add3A_133] : memref<320000xi32, #tpu.memory_space<hbm>> -> memref<80xi32, #tpu.memory_space<hbm>>
              tpu.enqueue_dma source(%dma_start3A_146 : memref<80xi32, #tpu.memory_space<hbm>>) target(%arg8 : memref<80xi32, #tpu.memory_space<vmem>>) target_semaphore(%run_scoped3A : memref<!tpu.dma_semaphore, #tpu.memory_space<semaphore_mem>>)
              %dma_wait3A_147 = tpu.memref_slice %arg4[%add3A_133] : memref<320000xi32, #tpu.memory_space<hbm>> -> memref<80xi32, #tpu.memory_space<hbm>>
              %dma_wait3A_148 = tpu.memref_slice %arg4[%add3A_133] : memref<320000xi32, #tpu.memory_space<hbm>> -> memref<80xi32, #tpu.memory_space<hbm>>
              tpu.wait_dma2 semaphore(%run_scoped3A : memref<!tpu.dma_semaphore, #tpu.memory_space<semaphore_mem>>) src(%dma_wait3A_148 : memref<80xi32, #tpu.memory_space<hbm>>) dst(%arg8 : memref<80xi32, #tpu.memory_space<vmem>>)
              tpu.yield
            }) : () -> ()
            "tpu.region"() ({
              %run_scoped3A = tpu.sem_alloc : memref<!tpu.dma_semaphore, #tpu.memory_space<semaphore_mem>>
              %dma_start3A_145 = tpu.memref_slice %arg5[%add3A_133] : memref<320000xi32, #tpu.memory_space<hbm>> -> memref<80xi32, #tpu.memory_space<hbm>>
              %dma_start3A_146 = tpu.memref_slice %arg5[%add3A_133] : memref<320000xi32, #tpu.memory_space<hbm>> -> memref<80xi32, #tpu.memory_space<hbm>>
              tpu.enqueue_dma source(%dma_start3A_146 : memref<80xi32, #tpu.memory_space<hbm>>) target(%arg10 : memref<80xi32, #tpu.memory_space<vmem>>) target_semaphore(%run_scoped3A : memref<!tpu.dma_semaphore, #tpu.memory_space<semaphore_mem>>)
              %dma_wait3A_147 = tpu.memref_slice %arg5[%add3A_133] : memref<320000xi32, #tpu.memory_space<hbm>> -> memref<80xi32, #tpu.memory_space<hbm>>
              %dma_wait3A_148 = tpu.memref_slice %arg5[%add3A_133] : memref<320000xi32, #tpu.memory_space<hbm>> -> memref<80xi32, #tpu.memory_space<hbm>>
              tpu.wait_dma2 semaphore(%run_scoped3A : memref<!tpu.dma_semaphore, #tpu.memory_space<semaphore_mem>>) src(%dma_wait3A_148 : memref<80xi32, #tpu.memory_space<hbm>>) dst(%arg10 : memref<80xi32, #tpu.memory_space<vmem>>)
              tpu.yield
            }) : () -> ()
            %scan3A_134 = arith.constant 0 : i32
            %scan3A_135 = arith.constant 5 : i32
            %scan3A_136 = arith.addi %scan3A_134, %scan3A_135 : i32
            %scan3A_137 = arith.constant 1 : i32
            scf.for %scan3A_145 = %scan3A_134 to %scan3A_136 step %scan3A_137  : i32 {
              %mul3A_146 = arith.constant 16 : i32
              %mul3A_147 = arith.muli %scan3A_145, %mul3A_146 : i32
              %add3A_148 = arith.constant 0 : i32
              %add3A_149 = arith.addi %add3A_148, %mul3A_147 : i32
              %get3A = arith.index_cast %add3A_149 : i32 to index
              %get3A_150 = tpu.vector_load %arg8[%get3A] {strides = array<i32>} : memref<80xi32, #tpu.memory_space<vmem>>, vector<16xi32>,
              %add3A_151 = vector.broadcast %add3A_14 : i32 to vector<16xi32>
              %add3A_152 = arith.addi %get3A_150, %add3A_151 : vector<16xi32>
              %swap3A = arith.index_cast %add3A_149 : i32 to index
              %swap3A_153 = tpu.vector_load %arg8[%swap3A] {strides = array<i32>} : memref<80xi32, #tpu.memory_space<vmem>>, vector<16xi32>,
              tpu.vector_store %arg8[%swap3A], %add3A_152 {strides = array<i32>} : memref<80xi32, #tpu.memory_space<vmem>>, vector<16xi32>,
              %get3A_154 = arith.index_cast %add3A_149 : i32 to index
              %get3A_155 = tpu.vector_load %arg10[%get3A_154] {strides = array<i32>} : memref<80xi32, #tpu.memory_space<vmem>>, vector<16xi32>,
              %add3A_156 = vector.broadcast %sub3A : i32 to vector<16xi32>
              %add3A_157 = arith.addi %get3A_155, %add3A_156 : vector<16xi32>
              %swap3A_158 = arith.index_cast %add3A_149 : i32 to index
              %swap3A_159 = tpu.vector_load %arg12[%swap3A_158] {strides = array<i32>} : memref<80xi32, #tpu.memory_space<vmem>>, vector<16xi32>,
              tpu.vector_store %arg12[%swap3A_158], %add3A_157 {strides = array<i32>} : memref<80xi32, #tpu.memory_space<vmem>>, vector<16xi32>,
            }
            %scan3A_138 = arith.constant 5 : i32
            %dma_start3A_139 = arith.constant 0 : i32
            %dma_start3A_140 = arith.constant 0 : i32
            %dma_start3A_141 = tpu.memref_slice %arg2[%dma_start3A_139, %dma_start3A_140] : memref<40000x128xf32, #tpu.memory_space<hbm>> -> memref<40000x128xf32, #tpu.memory_space<hbm>>
            tpu.enqueue_indirect_dma source(%dma_start3A_141 : memref<40000x128xf32, #tpu.memory_space<hbm>>) target(%arg16 : memref<80x128xf32, #tpu.memory_space<vmem>>) offsets(%arg8 : memref<80xi32, #tpu.memory_space<vmem>>) semaphore(%arg25 : memref<!tpu.dma_semaphore, #tpu.memory_space<semaphore_mem>>)
            %dma_start3A_142 = arith.constant 0 : i32
            %dma_start3A_143 = arith.constant 0 : i32
            %dma_start3A_144 = tpu.memref_slice %arg3[%dma_start3A_142, %dma_start3A_143] : memref<40000x64xf32, #tpu.memory_space<hbm>> -> memref<40000x64xf32, #tpu.memory_space<hbm>>
            tpu.enqueue_indirect_dma source(%dma_start3A_144 : memref<40000x64xf32, #tpu.memory_space<hbm>>) target(%arg18 : memref<80x64xf32, #tpu.memory_space<vmem>>) offsets(%arg12 : memref<80xi32, #tpu.memory_space<vmem>>) semaphore(%arg25 : memref<!tpu.dma_semaphore, #tpu.memory_space<semaphore_mem>>)
          } else {
          }
          %dma_wait3A_94 = arith.constant 0 : i32
          %dma_wait3A_95 = arith.constant 0 : i32
          %dma_wait3A_96 = tpu.memref_slice %arg2[%dma_wait3A_94, %dma_wait3A_95] : memref<40000x128xf32, #tpu.memory_space<hbm>> -> memref<40000x128xf32, #tpu.memory_space<hbm>>
          tpu.wait_indirect_dma semaphore(%arg24 : memref<!tpu.dma_semaphore, #tpu.memory_space<semaphore_mem>>) src(%dma_wait3A_96 : memref<40000x128xf32, #tpu.memory_space<hbm>>) dst(%arg15 : memref<80x128xf32, #tpu.memory_space<vmem>>)
          %dma_wait3A_97 = arith.constant 0 : i32
          %dma_wait3A_98 = arith.constant 0 : i32
          %dma_wait3A_99 = tpu.memref_slice %arg3[%dma_wait3A_97, %dma_wait3A_98] : memref<40000x64xf32, #tpu.memory_space<hbm>> -> memref<40000x64xf32, #tpu.memory_space<hbm>>
          tpu.wait_indirect_dma semaphore(%arg24 : memref<!tpu.dma_semaphore, #tpu.memory_space<semaphore_mem>>) src(%dma_wait3A_99 : memref<40000x64xf32, #tpu.memory_space<hbm>>) dst(%arg17 : memref<80x64xf32, #tpu.memory_space<vmem>>)
          %eq3A = arith.constant 0 : i32
          %eq3A_100 = vector.broadcast %eq3A : i32 to vector<16xi32>
          %eq3A_101 = arith.cmpi eq, %iota3A, %eq3A_100 : vector<16xi32>
          %convert_element_type3A_102 = arith.extui %eq3A_101 : vector<16xi1> to vector<16xi32>
          %convert_element_type3A_103 = arith.sitofp %convert_element_type3A_102 : vector<16xi32> to vector<16xf32>
          %eq3A_104 = arith.constant 1 : i32
          %eq3A_105 = vector.broadcast %eq3A_104 : i32 to vector<16xi32>
          %eq3A_106 = arith.cmpi eq, %iota3A, %eq3A_105 : vector<16xi32>
          %convert_element_type3A_107 = arith.extui %eq3A_106 : vector<16xi1> to vector<16xi32>
          %convert_element_type3A_108 = arith.sitofp %convert_element_type3A_107 : vector<16xi32> to vector<16xf32>
          %eq3A_109 = arith.constant 2 : i32
          %eq3A_110 = vector.broadcast %eq3A_109 : i32 to vector<16xi32>
          %eq3A_111 = arith.cmpi eq, %iota3A, %eq3A_110 : vector<16xi32>
          %convert_element_type3A_112 = arith.extui %eq3A_111 : vector<16xi1> to vector<16xi32>
          %convert_element_type3A_113 = arith.sitofp %convert_element_type3A_112 : vector<16xi32> to vector<16xf32>
          %eq3A_114 = arith.constant 3 : i32
          %eq3A_115 = vector.broadcast %eq3A_114 : i32 to vector<16xi32>
          %eq3A_116 = arith.cmpi eq, %iota3A, %eq3A_115 : vector<16xi32>
          %convert_element_type3A_117 = arith.extui %eq3A_116 : vector<16xi1> to vector<16xi32>
          %convert_element_type3A_118 = arith.sitofp %convert_element_type3A_117 : vector<16xi32> to vector<16xf32>
          %parallel_loop3A = arith.constant 0 : i32
          %parallel_loop3A_119 = arith.constant 80 : i32
          %parallel_loop3A_120 = arith.constant 1 : i32
          scf.for %parallel_loop3A_129 = %parallel_loop3A to %parallel_loop3A_119 step %parallel_loop3A_120  : i32 {
            %parallel_loop3A_130 = arith.index_cast %parallel_loop3A_129 : i32 to index
            %parallel_loop3A_131 = arith.constant 0 : index
            %parallel_loop3A_132 = tpu.vector_load %arg15[%parallel_loop3A_130, %parallel_loop3A_131] {strides = array<i32>} : memref<80x128xf32, #tpu.memory_space<vmem>>, vector<16xf32>,
            %parallel_loop3A_133 = arith.index_cast %parallel_loop3A_129 : i32 to index
            %parallel_loop3A_134 = arith.constant 0 : index
            %parallel_loop3A_135 = tpu.vector_load %arg17[%parallel_loop3A_133, %parallel_loop3A_134] {strides = array<i32>} : memref<80x64xf32, #tpu.memory_space<vmem>>, vector<16xf32>,
            %parallel_loop3A_136 = arith.mulf %parallel_loop3A_132, %parallel_loop3A_135 : vector<16xf32>
            %parallel_loop3A_137 = arith.constant true
            %parallel_loop3A_138 = vector.broadcast %parallel_loop3A_137 : i1 to vector<16xi1>
            %parallel_loop3A_139 = tpu.scan <sum>, %parallel_loop3A_136 masked %parallel_loop3A_138 : vector<16xf32>, vector<16xi1> -> vector<16xf32>
            %parallel_loop3A_140 = vector.extract %parallel_loop3A_139[15] : f32 from vector<16xf32>
            %parallel_loop3A_141 = vector.broadcast %parallel_loop3A_140 : f32 to vector<16xf32>
            %parallel_loop3A_142 = arith.addf %broadcast_in_dim3A_0, %parallel_loop3A_141 : vector<16xf32>
            %parallel_loop3A_143 = math.exp %parallel_loop3A_142 : vector<16xf32>
            %parallel_loop3A_144 = arith.index_cast %parallel_loop3A_129 : i32 to index
            %parallel_loop3A_145 = arith.constant 16 : index
            %parallel_loop3A_146 = tpu.vector_load %arg15[%parallel_loop3A_144, %parallel_loop3A_145] {strides = array<i32>} : memref<80x128xf32, #tpu.memory_space<vmem>>, vector<16xf32>,
            %parallel_loop3A_147 = arith.index_cast %parallel_loop3A_129 : i32 to index
            %parallel_loop3A_148 = arith.constant 16 : index
            %parallel_loop3A_149 = tpu.vector_load %arg17[%parallel_loop3A_147, %parallel_loop3A_148] {strides = array<i32>} : memref<80x64xf32, #tpu.memory_space<vmem>>, vector<16xf32>,
            %parallel_loop3A_150 = arith.mulf %parallel_loop3A_146, %parallel_loop3A_149 : vector<16xf32>
            %parallel_loop3A_151 = arith.constant true
            %parallel_loop3A_152 = vector.broadcast %parallel_loop3A_151 : i1 to vector<16xi1>
            %parallel_loop3A_153 = tpu.scan <sum>, %parallel_loop3A_150 masked %parallel_loop3A_152 : vector<16xf32>, vector<16xi1> -> vector<16xf32>
            %parallel_loop3A_154 = vector.extract %parallel_loop3A_153[15] : f32 from vector<16xf32>
            %parallel_loop3A_155 = vector.broadcast %parallel_loop3A_154 : f32 to vector<16xf32>
            %parallel_loop3A_156 = arith.addf %broadcast_in_dim3A_0, %parallel_loop3A_155 : vector<16xf32>
            %parallel_loop3A_157 = math.exp %parallel_loop3A_156 : vector<16xf32>
            %parallel_loop3A_158 = arith.index_cast %parallel_loop3A_129 : i32 to index
            %parallel_loop3A_159 = arith.constant 32 : index
            %parallel_loop3A_160 = tpu.vector_load %arg15[%parallel_loop3A_158, %parallel_loop3A_159] {strides = array<i32>} : memref<80x128xf32, #tpu.memory_space<vmem>>, vector<16xf32>,
            %parallel_loop3A_161 = arith.index_cast %parallel_loop3A_129 : i32 to index
            %parallel_loop3A_162 = arith.constant 32 : index
            %parallel_loop3A_163 = tpu.vector_load %arg17[%parallel_loop3A_161, %parallel_loop3A_162] {strides = array<i32>} : memref<80x64xf32, #tpu.memory_space<vmem>>, vector<16xf32>,
            %parallel_loop3A_164 = arith.mulf %parallel_loop3A_160, %parallel_loop3A_163 : vector<16xf32>
            %parallel_loop3A_165 = arith.constant true
            %parallel_loop3A_166 = vector.broadcast %parallel_loop3A_165 : i1 to vector<16xi1>
            %parallel_loop3A_167 = tpu.scan <sum>, %parallel_loop3A_164 masked %parallel_loop3A_166 : vector<16xf32>, vector<16xi1> -> vector<16xf32>
            %parallel_loop3A_168 = vector.extract %parallel_loop3A_167[15] : f32 from vector<16xf32>
            %parallel_loop3A_169 = vector.broadcast %parallel_loop3A_168 : f32 to vector<16xf32>
            %parallel_loop3A_170 = arith.addf %broadcast_in_dim3A_0, %parallel_loop3A_169 : vector<16xf32>
            %parallel_loop3A_171 = math.exp %parallel_loop3A_170 : vector<16xf32>
            %parallel_loop3A_172 = arith.index_cast %parallel_loop3A_129 : i32 to index
            %parallel_loop3A_173 = arith.constant 48 : index
            %parallel_loop3A_174 = tpu.vector_load %arg15[%parallel_loop3A_172, %parallel_loop3A_173] {strides = array<i32>} : memref<80x128xf32, #tpu.memory_space<vmem>>, vector<16xf32>,
            %parallel_loop3A_175 = arith.index_cast %parallel_loop3A_129 : i32 to index
            %parallel_loop3A_176 = arith.constant 48 : index
            %parallel_loop3A_177 = tpu.vector_load %arg17[%parallel_loop3A_175, %parallel_loop3A_176] {strides = array<i32>} : memref<80x64xf32, #tpu.memory_space<vmem>>, vector<16xf32>,
            %parallel_loop3A_178 = arith.mulf %parallel_loop3A_174, %parallel_loop3A_177 : vector<16xf32>
            %parallel_loop3A_179 = arith.constant true
            %parallel_loop3A_180 = vector.broadcast %parallel_loop3A_179 : i1 to vector<16xi1>
            %parallel_loop3A_181 = tpu.scan <sum>, %parallel_loop3A_178 masked %parallel_loop3A_180 : vector<16xf32>, vector<16xi1> -> vector<16xf32>
            %parallel_loop3A_182 = vector.extract %parallel_loop3A_181[15] : f32 from vector<16xf32>
            %parallel_loop3A_183 = vector.broadcast %parallel_loop3A_182 : f32 to vector<16xf32>
            %parallel_loop3A_184 = arith.addf %broadcast_in_dim3A_0, %parallel_loop3A_183 : vector<16xf32>
            %parallel_loop3A_185 = math.exp %parallel_loop3A_184 : vector<16xf32>
            %parallel_loop3A_186 = arith.mulf %parallel_loop3A_143, %convert_element_type3A_103 : vector<16xf32>
            %parallel_loop3A_187 = arith.mulf %parallel_loop3A_157, %convert_element_type3A_108 : vector<16xf32>
            %parallel_loop3A_188 = arith.addf %parallel_loop3A_186, %parallel_loop3A_187 : vector<16xf32>
            %parallel_loop3A_189 = arith.mulf %parallel_loop3A_171, %convert_element_type3A_113 : vector<16xf32>
            %parallel_loop3A_190 = arith.mulf %parallel_loop3A_185, %convert_element_type3A_118 : vector<16xf32>
            %parallel_loop3A_191 = arith.addf %parallel_loop3A_189, %parallel_loop3A_190 : vector<16xf32>
            %parallel_loop3A_192 = arith.addf %parallel_loop3A_188, %parallel_loop3A_191 : vector<16xf32>
            %parallel_loop3A_193 = arith.index_cast %parallel_loop3A_129 : i32 to index
            %parallel_loop3A_194 = arith.constant 64 : index
            %parallel_loop3A_195 = tpu.vector_load %arg19[%parallel_loop3A_193, %parallel_loop3A_194] {strides = array<i32>} : memref<80x80xf32, #tpu.memory_space<vmem>>, vector<16xf32>,
            tpu.vector_store %arg19[%parallel_loop3A_193, %parallel_loop3A_194], %parallel_loop3A_192 {strides = array<i32>} : memref<80x80xf32, #tpu.memory_space<vmem>>, vector<16xf32>,
            %parallel_loop3A_196 = arith.index_cast %parallel_loop3A_129 : i32 to index
            %parallel_loop3A_197 = arith.constant 64 : index
            %parallel_loop3A_198 = tpu.vector_load %arg15[%parallel_loop3A_196, %parallel_loop3A_197] {strides = array<i32>} : memref<80x128xf32, #tpu.memory_space<vmem>>, vector<16xf32>,
            %parallel_loop3A_199 = arith.mulf %parallel_loop3A_198, %parallel_loop3A_143 : vector<16xf32>
            %parallel_loop3A_200 = arith.index_cast %parallel_loop3A_129 : i32 to index
            %parallel_loop3A_201 = arith.constant 0 : index
            %parallel_loop3A_202 = tpu.vector_load %arg19[%parallel_loop3A_200, %parallel_loop3A_201] {strides = array<i32>} : memref<80x80xf32, #tpu.memory_space<vmem>>, vector<16xf32>,
            tpu.vector_store %arg19[%parallel_loop3A_200, %parallel_loop3A_201], %parallel_loop3A_199 {strides = array<i32>} : memref<80x80xf32, #tpu.memory_space<vmem>>, vector<16xf32>,
            %parallel_loop3A_203 = arith.index_cast %parallel_loop3A_129 : i32 to index
            %parallel_loop3A_204 = arith.constant 80 : index
            %parallel_loop3A_205 = tpu.vector_load %arg15[%parallel_loop3A_203, %parallel_loop3A_204] {strides = array<i32>} : memref<80x128xf32, #tpu.memory_space<vmem>>, vector<16xf32>,
            %parallel_loop3A_206 = arith.mulf %parallel_loop3A_205, %parallel_loop3A_157 : vector<16xf32>
            %parallel_loop3A_207 = arith.index_cast %parallel_loop3A_129 : i32 to index
            %parallel_loop3A_208 = arith.constant 16 : index
            %parallel_loop3A_209 = tpu.vector_load %arg19[%parallel_loop3A_207, %parallel_loop3A_208] {strides = array<i32>} : memref<80x80xf32, #tpu.memory_space<vmem>>, vector<16xf32>,
            tpu.vector_store %arg19[%parallel_loop3A_207, %parallel_loop3A_208], %parallel_loop3A_206 {strides = array<i32>} : memref<80x80xf32, #tpu.memory_space<vmem>>, vector<16xf32>,
            %parallel_loop3A_210 = arith.index_cast %parallel_loop3A_129 : i32 to index
            %parallel_loop3A_211 = arith.constant 96 : index
            %parallel_loop3A_212 = tpu.vector_load %arg15[%parallel_loop3A_210, %parallel_loop3A_211] {strides = array<i32>} : memref<80x128xf32, #tpu.memory_space<vmem>>, vector<16xf32>,
            %parallel_loop3A_213 = arith.mulf %parallel_loop3A_212, %parallel_loop3A_171 : vector<16xf32>
            %parallel_loop3A_214 = arith.index_cast %parallel_loop3A_129 : i32 to index
            %parallel_loop3A_215 = arith.constant 32 : index
            %parallel_loop3A_216 = tpu.vector_load %arg19[%parallel_loop3A_214, %parallel_loop3A_215] {strides = array<i32>} : memref<80x80xf32, #tpu.memory_space<vmem>>, vector<16xf32>,
            tpu.vector_store %arg19[%parallel_loop3A_214, %parallel_loop3A_215], %parallel_loop3A_213 {strides = array<i32>} : memref<80x80xf32, #tpu.memory_space<vmem>>, vector<16xf32>,
            %parallel_loop3A_217 = arith.index_cast %parallel_loop3A_129 : i32 to index
            %parallel_loop3A_218 = arith.constant 112 : index
            %parallel_loop3A_219 = tpu.vector_load %arg15[%parallel_loop3A_217, %parallel_loop3A_218] {strides = array<i32>} : memref<80x128xf32, #tpu.memory_space<vmem>>, vector<16xf32>,
            %parallel_loop3A_220 = arith.mulf %parallel_loop3A_219, %parallel_loop3A_185 : vector<16xf32>
            %parallel_loop3A_221 = arith.index_cast %parallel_loop3A_129 : i32 to index
            %parallel_loop3A_222 = arith.constant 48 : index
            %parallel_loop3A_223 = tpu.vector_load %arg19[%parallel_loop3A_221, %parallel_loop3A_222] {strides = array<i32>} : memref<80x80xf32, #tpu.memory_space<vmem>>, vector<16xf32>,
            tpu.vector_store %arg19[%parallel_loop3A_221, %parallel_loop3A_222], %parallel_loop3A_220 {strides = array<i32>} : memref<80x80xf32, #tpu.memory_space<vmem>>, vector<16xf32>,
          } {sc.loop_unroll_factor = 1 : i64, sc.parallel_access}
          %scan3A_121 = arith.constant 0 : i32
          %scan3A_122 = arith.constant 5 : i32
          %scan3A_123 = arith.addi %scan3A_121, %scan3A_122 : i32
          %scan3A_124 = arith.constant 1 : i32
          scf.for %scan3A_129 = %scan3A_121 to %scan3A_123 step %scan3A_124  : i32 {
            %mul3A_130 = arith.constant 16 : i32
            %mul3A_131 = arith.muli %scan3A_129, %mul3A_130 : i32
            %add3A_132 = arith.constant 0 : i32
            %add3A_133 = arith.addi %add3A_132, %mul3A_131 : i32
            %get3A = arith.index_cast %add3A_133 : i32 to index
            %get3A_134 = tpu.vector_load %arg9[%get3A] {strides = array<i32>} : memref<80xi32, #tpu.memory_space<vmem>>, vector<16xi32>,
            %swap3A = arith.index_cast %add3A_133 : i32 to index
            %swap3A_135 = tpu.vector_load %arg13[%swap3A] {strides = array<i32>} : memref<80xi32, #tpu.memory_space<vmem>>, vector<16xi32>,
            tpu.vector_store %arg13[%swap3A], %get3A_134 {strides = array<i32>} : memref<80xi32, #tpu.memory_space<vmem>>, vector<16xi32>,
          }
          %scan3A_125 = arith.constant 5 : i32
          %dma_start3A_126 = arith.constant 0 : i32
          %dma_start3A_127 = arith.constant 0 : i32
          %dma_start3A_128 = tpu.memref_slice %arg23[%dma_start3A_126, %dma_start3A_127] : memref<10000x80xf32, #tpu.memory_space<vmem_shared>> -> memref<10000x80xf32, #tpu.memory_space<vmem_shared>>
          tpu.enqueue_indirect_dma source(%arg19 : memref<80x80xf32, #tpu.memory_space<vmem>>) target(%dma_start3A_128 : memref<10000x80xf32, #tpu.memory_space<vmem_shared>>) offsets(%arg13 : memref<80xi32, #tpu.memory_space<vmem>>) semaphore(%arg26 : memref<!tpu.dma_semaphore, #tpu.memory_space<semaphore_mem>>) {add = true}
        } else {
        }
        %mul3A_74 = arith.constant 2 : i32
        %mul3A_75 = arith.muli %mul3A_74, %add3A_67 : i32
        %add3A_76 = arith.constant 1 : i32
        %add3A_77 = arith.addi %mul3A_75, %add3A_76 : i32
        %lt3A_78 = arith.constant 125 : i32
        %lt3A_79 = arith.cmpi slt, %add3A_77, %lt3A_78 : i32
        %convert_element_type3A_80 = arith.extui %lt3A_79 : i1 to i32
        %cond3A_81 = arith.constant 0 : i32
        %cond3A_82 = arith.cmpi ne, %convert_element_type3A_80, %cond3A_81 : i32
        scf.if %cond3A_82 {
          %ge3A = arith.constant 2 : i32
          %ge3A_83 = arith.cmpi sge, %add3A_77, %ge3A : i32
          %convert_element_type3A_84 = arith.extui %ge3A_83 : i1 to i32
          %cond3A_85 = arith.constant 0 : i32
          %cond3A_86 = arith.cmpi ne, %convert_element_type3A_84, %cond3A_85 : i32
          scf.if %cond3A_86 {
            %dma_wait3A_129 = arith.constant 0 : i32
            %dma_wait3A_130 = arith.constant 0 : i32
            %dma_wait3A_131 = tpu.memref_slice %arg23[%dma_wait3A_129, %dma_wait3A_130] : memref<10000x80xf32, #tpu.memory_space<vmem_shared>> -> memref<10000x80xf32, #tpu.memory_space<vmem_shared>>
            tpu.wait_indirect_dma semaphore(%arg27 : memref<!tpu.dma_semaphore, #tpu.memory_space<semaphore_mem>>) src(%arg20 : memref<80x80xf32, #tpu.memory_space<vmem>>) dst(%dma_wait3A_131 : memref<10000x80xf32, #tpu.memory_space<vmem_shared>>)
          } else {
          }
          %add3A_87 = arith.constant 1 : i32
          %add3A_88 = arith.addi %add3A_77, %add3A_87 : i32
          %lt3A_89 = arith.constant 125 : i32
          %lt3A_90 = arith.cmpi slt, %add3A_88, %lt3A_89 : i32
          %convert_element_type3A_91 = arith.extui %lt3A_90 : i1 to i32
          %cond3A_92 = arith.constant 0 : i32
          %cond3A_93 = arith.cmpi ne, %convert_element_type3A_91, %cond3A_92 : i32
          scf.if %cond3A_93 {
            %add3A_129 = arith.constant 1 : i32
            %add3A_130 = arith.addi %add3A_77, %add3A_129 : i32
            %mul3A_131 = arith.constant 80 : i32
            %mul3A_132 = arith.muli %add3A_130, %mul3A_131 : i32
            %add3A_133 = arith.addi %add3A_33, %mul3A_132 : i32
            "tpu.region"() ({
              %run_scoped3A = tpu.sem_alloc : memref<!tpu.dma_semaphore, #tpu.memory_space<semaphore_mem>>
              %dma_start3A_145 = tpu.memref_slice %arg4[%add3A_133] : memref<320000xi32, #tpu.memory_space<hbm>> -> memref<80xi32, #tpu.memory_space<hbm>>
              %dma_start3A_146 = tpu.memref_slice %arg4[%add3A_133] : memref<320000xi32, #tpu.memory_space<hbm>> -> memref<80xi32, #tpu.memory_space<hbm>>
              tpu.enqueue_dma source(%dma_start3A_146 : memref<80xi32, #tpu.memory_space<hbm>>) target(%arg7 : memref<80xi32, #tpu.memory_space<vmem>>) target_semaphore(%run_scoped3A : memref<!tpu.dma_semaphore, #tpu.memory_space<semaphore_mem>>)
              %dma_wait3A_147 = tpu.memref_slice %arg4[%add3A_133] : memref<320000xi32, #tpu.memory_space<hbm>> -> memref<80xi32, #tpu.memory_space<hbm>>
              %dma_wait3A_148 = tpu.memref_slice %arg4[%add3A_133] : memref<320000xi32, #tpu.memory_space<hbm>> -> memref<80xi32, #tpu.memory_space<hbm>>
              tpu.wait_dma2 semaphore(%run_scoped3A : memref<!tpu.dma_semaphore, #tpu.memory_space<semaphore_mem>>) src(%dma_wait3A_148 : memref<80xi32, #tpu.memory_space<hbm>>) dst(%arg7 : memref<80xi32, #tpu.memory_space<vmem>>)
              tpu.yield
            }) : () -> ()
            "tpu.region"() ({
              %run_scoped3A = tpu.sem_alloc : memref<!tpu.dma_semaphore, #tpu.memory_space<semaphore_mem>>
              %dma_start3A_145 = tpu.memref_slice %arg5[%add3A_133] : memref<320000xi32, #tpu.memory_space<hbm>> -> memref<80xi32, #tpu.memory_space<hbm>>
              %dma_start3A_146 = tpu.memref_slice %arg5[%add3A_133] : memref<320000xi32, #tpu.memory_space<hbm>> -> memref<80xi32, #tpu.memory_space<hbm>>
              tpu.enqueue_dma source(%dma_start3A_146 : memref<80xi32, #tpu.memory_space<hbm>>) target(%arg9 : memref<80xi32, #tpu.memory_space<vmem>>) target_semaphore(%run_scoped3A : memref<!tpu.dma_semaphore, #tpu.memory_space<semaphore_mem>>)
              %dma_wait3A_147 = tpu.memref_slice %arg5[%add3A_133] : memref<320000xi32, #tpu.memory_space<hbm>> -> memref<80xi32, #tpu.memory_space<hbm>>
              %dma_wait3A_148 = tpu.memref_slice %arg5[%add3A_133] : memref<320000xi32, #tpu.memory_space<hbm>> -> memref<80xi32, #tpu.memory_space<hbm>>
              tpu.wait_dma2 semaphore(%run_scoped3A : memref<!tpu.dma_semaphore, #tpu.memory_space<semaphore_mem>>) src(%dma_wait3A_148 : memref<80xi32, #tpu.memory_space<hbm>>) dst(%arg9 : memref<80xi32, #tpu.memory_space<vmem>>)
              tpu.yield
            }) : () -> ()
            %scan3A_134 = arith.constant 0 : i32
            %scan3A_135 = arith.constant 5 : i32
            %scan3A_136 = arith.addi %scan3A_134, %scan3A_135 : i32
            %scan3A_137 = arith.constant 1 : i32
            scf.for %scan3A_145 = %scan3A_134 to %scan3A_136 step %scan3A_137  : i32 {
              %mul3A_146 = arith.constant 16 : i32
              %mul3A_147 = arith.muli %scan3A_145, %mul3A_146 : i32
              %add3A_148 = arith.constant 0 : i32
              %add3A_149 = arith.addi %add3A_148, %mul3A_147 : i32
              %get3A = arith.index_cast %add3A_149 : i32 to index
              %get3A_150 = tpu.vector_load %arg7[%get3A] {strides = array<i32>} : memref<80xi32, #tpu.memory_space<vmem>>, vector<16xi32>,
              %add3A_151 = vector.broadcast %add3A_14 : i32 to vector<16xi32>
              %add3A_152 = arith.addi %get3A_150, %add3A_151 : vector<16xi32>
              %swap3A = arith.index_cast %add3A_149 : i32 to index
              %swap3A_153 = tpu.vector_load %arg7[%swap3A] {strides = array<i32>} : memref<80xi32, #tpu.memory_space<vmem>>, vector<16xi32>,
              tpu.vector_store %arg7[%swap3A], %add3A_152 {strides = array<i32>} : memref<80xi32, #tpu.memory_space<vmem>>, vector<16xi32>,
              %get3A_154 = arith.index_cast %add3A_149 : i32 to index
              %get3A_155 = tpu.vector_load %arg9[%get3A_154] {strides = array<i32>} : memref<80xi32, #tpu.memory_space<vmem>>, vector<16xi32>,
              %add3A_156 = vector.broadcast %sub3A : i32 to vector<16xi32>
              %add3A_157 = arith.addi %get3A_155, %add3A_156 : vector<16xi32>
              %swap3A_158 = arith.index_cast %add3A_149 : i32 to index
              %swap3A_159 = tpu.vector_load %arg11[%swap3A_158] {strides = array<i32>} : memref<80xi32, #tpu.memory_space<vmem>>, vector<16xi32>,
              tpu.vector_store %arg11[%swap3A_158], %add3A_157 {strides = array<i32>} : memref<80xi32, #tpu.memory_space<vmem>>, vector<16xi32>,
            }
            %scan3A_138 = arith.constant 5 : i32
            %dma_start3A_139 = arith.constant 0 : i32
            %dma_start3A_140 = arith.constant 0 : i32
            %dma_start3A_141 = tpu.memref_slice %arg2[%dma_start3A_139, %dma_start3A_140] : memref<40000x128xf32, #tpu.memory_space<hbm>> -> memref<40000x128xf32, #tpu.memory_space<hbm>>
            tpu.enqueue_indirect_dma source(%dma_start3A_141 : memref<40000x128xf32, #tpu.memory_space<hbm>>) target(%arg15 : memref<80x128xf32, #tpu.memory_space<vmem>>) offsets(%arg7 : memref<80xi32, #tpu.memory_space<vmem>>) semaphore(%arg24 : memref<!tpu.dma_semaphore, #tpu.memory_space<semaphore_mem>>)
            %dma_start3A_142 = arith.constant 0 : i32
            %dma_start3A_143 = arith.constant 0 : i32
            %dma_start3A_144 = tpu.memref_slice %arg3[%dma_start3A_142, %dma_start3A_143] : memref<40000x64xf32, #tpu.memory_space<hbm>> -> memref<40000x64xf32, #tpu.memory_space<hbm>>
            tpu.enqueue_indirect_dma source(%dma_start3A_144 : memref<40000x64xf32, #tpu.memory_space<hbm>>) target(%arg17 : memref<80x64xf32, #tpu.memory_space<vmem>>) offsets(%arg11 : memref<80xi32, #tpu.memory_space<vmem>>) semaphore(%arg24 : memref<!tpu.dma_semaphore, #tpu.memory_space<semaphore_mem>>)
          } else {
          }
          %dma_wait3A_94 = arith.constant 0 : i32
          %dma_wait3A_95 = arith.constant 0 : i32
          %dma_wait3A_96 = tpu.memref_slice %arg2[%dma_wait3A_94, %dma_wait3A_95] : memref<40000x128xf32, #tpu.memory_space<hbm>> -> memref<40000x128xf32, #tpu.memory_space<hbm>>
          tpu.wait_indirect_dma semaphore(%arg25 : memref<!tpu.dma_semaphore, #tpu.memory_space<semaphore_mem>>) src(%dma_wait3A_96 : memref<40000x128xf32, #tpu.memory_space<hbm>>) dst(%arg16 : memref<80x128xf32, #tpu.memory_space<vmem>>)
          %dma_wait3A_97 = arith.constant 0 : i32
          %dma_wait3A_98 = arith.constant 0 : i32
          %dma_wait3A_99 = tpu.memref_slice %arg3[%dma_wait3A_97, %dma_wait3A_98] : memref<40000x64xf32, #tpu.memory_space<hbm>> -> memref<40000x64xf32, #tpu.memory_space<hbm>>
          tpu.wait_indirect_dma semaphore(%arg25 : memref<!tpu.dma_semaphore, #tpu.memory_space<semaphore_mem>>) src(%dma_wait3A_99 : memref<40000x64xf32, #tpu.memory_space<hbm>>) dst(%arg18 : memref<80x64xf32, #tpu.memory_space<vmem>>)
          %eq3A = arith.constant 0 : i32
          %eq3A_100 = vector.broadcast %eq3A : i32 to vector<16xi32>
          %eq3A_101 = arith.cmpi eq, %iota3A, %eq3A_100 : vector<16xi32>
          %convert_element_type3A_102 = arith.extui %eq3A_101 : vector<16xi1> to vector<16xi32>
          %convert_element_type3A_103 = arith.sitofp %convert_element_type3A_102 : vector<16xi32> to vector<16xf32>
          %eq3A_104 = arith.constant 1 : i32
          %eq3A_105 = vector.broadcast %eq3A_104 : i32 to vector<16xi32>
          %eq3A_106 = arith.cmpi eq, %iota3A, %eq3A_105 : vector<16xi32>
          %convert_element_type3A_107 = arith.extui %eq3A_106 : vector<16xi1> to vector<16xi32>
          %convert_element_type3A_108 = arith.sitofp %convert_element_type3A_107 : vector<16xi32> to vector<16xf32>
          %eq3A_109 = arith.constant 2 : i32
          %eq3A_110 = vector.broadcast %eq3A_109 : i32 to vector<16xi32>
          %eq3A_111 = arith.cmpi eq, %iota3A, %eq3A_110 : vector<16xi32>
          %convert_element_type3A_112 = arith.extui %eq3A_111 : vector<16xi1> to vector<16xi32>
          %convert_element_type3A_113 = arith.sitofp %convert_element_type3A_112 : vector<16xi32> to vector<16xf32>
          %eq3A_114 = arith.constant 3 : i32
          %eq3A_115 = vector.broadcast %eq3A_114 : i32 to vector<16xi32>
          %eq3A_116 = arith.cmpi eq, %iota3A, %eq3A_115 : vector<16xi32>
          %convert_element_type3A_117 = arith.extui %eq3A_116 : vector<16xi1> to vector<16xi32>
          %convert_element_type3A_118 = arith.sitofp %convert_element_type3A_117 : vector<16xi32> to vector<16xf32>
          %parallel_loop3A = arith.constant 0 : i32
          %parallel_loop3A_119 = arith.constant 80 : i32
          %parallel_loop3A_120 = arith.constant 1 : i32
          scf.for %parallel_loop3A_129 = %parallel_loop3A to %parallel_loop3A_119 step %parallel_loop3A_120  : i32 {
            %parallel_loop3A_130 = arith.index_cast %parallel_loop3A_129 : i32 to index
            %parallel_loop3A_131 = arith.constant 0 : index
            %parallel_loop3A_132 = tpu.vector_load %arg16[%parallel_loop3A_130, %parallel_loop3A_131] {strides = array<i32>} : memref<80x128xf32, #tpu.memory_space<vmem>>, vector<16xf32>,
            %parallel_loop3A_133 = arith.index_cast %parallel_loop3A_129 : i32 to index
            %parallel_loop3A_134 = arith.constant 0 : index
            %parallel_loop3A_135 = tpu.vector_load %arg18[%parallel_loop3A_133, %parallel_loop3A_134] {strides = array<i32>} : memref<80x64xf32, #tpu.memory_space<vmem>>, vector<16xf32>,
            %parallel_loop3A_136 = arith.mulf %parallel_loop3A_132, %parallel_loop3A_135 : vector<16xf32>
            %parallel_loop3A_137 = arith.constant true
            %parallel_loop3A_138 = vector.broadcast %parallel_loop3A_137 : i1 to vector<16xi1>
            %parallel_loop3A_139 = tpu.scan <sum>, %parallel_loop3A_136 masked %parallel_loop3A_138 : vector<16xf32>, vector<16xi1> -> vector<16xf32>
            %parallel_loop3A_140 = vector.extract %parallel_loop3A_139[15] : f32 from vector<16xf32>
            %parallel_loop3A_141 = vector.broadcast %parallel_loop3A_140 : f32 to vector<16xf32>
            %parallel_loop3A_142 = arith.addf %broadcast_in_dim3A_0, %parallel_loop3A_141 : vector<16xf32>
            %parallel_loop3A_143 = math.exp %parallel_loop3A_142 : vector<16xf32>
            %parallel_loop3A_144 = arith.index_cast %parallel_loop3A_129 : i32 to index
            %parallel_loop3A_145 = arith.constant 16 : index
            %parallel_loop3A_146 = tpu.vector_load %arg16[%parallel_loop3A_144, %parallel_loop3A_145] {strides = array<i32>} : memref<80x128xf32, #tpu.memory_space<vmem>>, vector<16xf32>,
            %parallel_loop3A_147 = arith.index_cast %parallel_loop3A_129 : i32 to index
            %parallel_loop3A_148 = arith.constant 16 : index
            %parallel_loop3A_149 = tpu.vector_load %arg18[%parallel_loop3A_147, %parallel_loop3A_148] {strides = array<i32>} : memref<80x64xf32, #tpu.memory_space<vmem>>, vector<16xf32>,
            %parallel_loop3A_150 = arith.mulf %parallel_loop3A_146, %parallel_loop3A_149 : vector<16xf32>
            %parallel_loop3A_151 = arith.constant true
            %parallel_loop3A_152 = vector.broadcast %parallel_loop3A_151 : i1 to vector<16xi1>
            %parallel_loop3A_153 = tpu.scan <sum>, %parallel_loop3A_150 masked %parallel_loop3A_152 : vector<16xf32>, vector<16xi1> -> vector<16xf32>
            %parallel_loop3A_154 = vector.extract %parallel_loop3A_153[15] : f32 from vector<16xf32>
            %parallel_loop3A_155 = vector.broadcast %parallel_loop3A_154 : f32 to vector<16xf32>
            %parallel_loop3A_156 = arith.addf %broadcast_in_dim3A_0, %parallel_loop3A_155 : vector<16xf32>
            %parallel_loop3A_157 = math.exp %parallel_loop3A_156 : vector<16xf32>
            %parallel_loop3A_158 = arith.index_cast %parallel_loop3A_129 : i32 to index
            %parallel_loop3A_159 = arith.constant 32 : index
            %parallel_loop3A_160 = tpu.vector_load %arg16[%parallel_loop3A_158, %parallel_loop3A_159] {strides = array<i32>} : memref<80x128xf32, #tpu.memory_space<vmem>>, vector<16xf32>,
            %parallel_loop3A_161 = arith.index_cast %parallel_loop3A_129 : i32 to index
            %parallel_loop3A_162 = arith.constant 32 : index
            %parallel_loop3A_163 = tpu.vector_load %arg18[%parallel_loop3A_161, %parallel_loop3A_162] {strides = array<i32>} : memref<80x64xf32, #tpu.memory_space<vmem>>, vector<16xf32>,
            %parallel_loop3A_164 = arith.mulf %parallel_loop3A_160, %parallel_loop3A_163 : vector<16xf32>
            %parallel_loop3A_165 = arith.constant true
            %parallel_loop3A_166 = vector.broadcast %parallel_loop3A_165 : i1 to vector<16xi1>
            %parallel_loop3A_167 = tpu.scan <sum>, %parallel_loop3A_164 masked %parallel_loop3A_166 : vector<16xf32>, vector<16xi1> -> vector<16xf32>
            %parallel_loop3A_168 = vector.extract %parallel_loop3A_167[15] : f32 from vector<16xf32>
            %parallel_loop3A_169 = vector.broadcast %parallel_loop3A_168 : f32 to vector<16xf32>
            %parallel_loop3A_170 = arith.addf %broadcast_in_dim3A_0, %parallel_loop3A_169 : vector<16xf32>
            %parallel_loop3A_171 = math.exp %parallel_loop3A_170 : vector<16xf32>
            %parallel_loop3A_172 = arith.index_cast %parallel_loop3A_129 : i32 to index
            %parallel_loop3A_173 = arith.constant 48 : index
            %parallel_loop3A_174 = tpu.vector_load %arg16[%parallel_loop3A_172, %parallel_loop3A_173] {strides = array<i32>} : memref<80x128xf32, #tpu.memory_space<vmem>>, vector<16xf32>,
            %parallel_loop3A_175 = arith.index_cast %parallel_loop3A_129 : i32 to index
            %parallel_loop3A_176 = arith.constant 48 : index
            %parallel_loop3A_177 = tpu.vector_load %arg18[%parallel_loop3A_175, %parallel_loop3A_176] {strides = array<i32>} : memref<80x64xf32, #tpu.memory_space<vmem>>, vector<16xf32>,
            %parallel_loop3A_178 = arith.mulf %parallel_loop3A_174, %parallel_loop3A_177 : vector<16xf32>
            %parallel_loop3A_179 = arith.constant true
            %parallel_loop3A_180 = vector.broadcast %parallel_loop3A_179 : i1 to vector<16xi1>
            %parallel_loop3A_181 = tpu.scan <sum>, %parallel_loop3A_178 masked %parallel_loop3A_180 : vector<16xf32>, vector<16xi1> -> vector<16xf32>
            %parallel_loop3A_182 = vector.extract %parallel_loop3A_181[15] : f32 from vector<16xf32>
            %parallel_loop3A_183 = vector.broadcast %parallel_loop3A_182 : f32 to vector<16xf32>
            %parallel_loop3A_184 = arith.addf %broadcast_in_dim3A_0, %parallel_loop3A_183 : vector<16xf32>
            %parallel_loop3A_185 = math.exp %parallel_loop3A_184 : vector<16xf32>
            %parallel_loop3A_186 = arith.mulf %parallel_loop3A_143, %convert_element_type3A_103 : vector<16xf32>
            %parallel_loop3A_187 = arith.mulf %parallel_loop3A_157, %convert_element_type3A_108 : vector<16xf32>
            %parallel_loop3A_188 = arith.addf %parallel_loop3A_186, %parallel_loop3A_187 : vector<16xf32>
            %parallel_loop3A_189 = arith.mulf %parallel_loop3A_171, %convert_element_type3A_113 : vector<16xf32>
            %parallel_loop3A_190 = arith.mulf %parallel_loop3A_185, %convert_element_type3A_118 : vector<16xf32>
            %parallel_loop3A_191 = arith.addf %parallel_loop3A_189, %parallel_loop3A_190 : vector<16xf32>
            %parallel_loop3A_192 = arith.addf %parallel_loop3A_188, %parallel_loop3A_191 : vector<16xf32>
            %parallel_loop3A_193 = arith.index_cast %parallel_loop3A_129 : i32 to index
            %parallel_loop3A_194 = arith.constant 64 : index
            %parallel_loop3A_195 = tpu.vector_load %arg20[%parallel_loop3A_193, %parallel_loop3A_194] {strides = array<i32>} : memref<80x80xf32, #tpu.memory_space<vmem>>, vector<16xf32>,
            tpu.vector_store %arg20[%parallel_loop3A_193, %parallel_loop3A_194], %parallel_loop3A_192 {strides = array<i32>} : memref<80x80xf32, #tpu.memory_space<vmem>>, vector<16xf32>,
            %parallel_loop3A_196 = arith.index_cast %parallel_loop3A_129 : i32 to index
            %parallel_loop3A_197 = arith.constant 64 : index
            %parallel_loop3A_198 = tpu.vector_load %arg16[%parallel_loop3A_196, %parallel_loop3A_197] {strides = array<i32>} : memref<80x128xf32, #tpu.memory_space<vmem>>, vector<16xf32>,
            %parallel_loop3A_199 = arith.mulf %parallel_loop3A_198, %parallel_loop3A_143 : vector<16xf32>
            %parallel_loop3A_200 = arith.index_cast %parallel_loop3A_129 : i32 to index
            %parallel_loop3A_201 = arith.constant 0 : index
            %parallel_loop3A_202 = tpu.vector_load %arg20[%parallel_loop3A_200, %parallel_loop3A_201] {strides = array<i32>} : memref<80x80xf32, #tpu.memory_space<vmem>>, vector<16xf32>,
            tpu.vector_store %arg20[%parallel_loop3A_200, %parallel_loop3A_201], %parallel_loop3A_199 {strides = array<i32>} : memref<80x80xf32, #tpu.memory_space<vmem>>, vector<16xf32>,
            %parallel_loop3A_203 = arith.index_cast %parallel_loop3A_129 : i32 to index
            %parallel_loop3A_204 = arith.constant 80 : index
            %parallel_loop3A_205 = tpu.vector_load %arg16[%parallel_loop3A_203, %parallel_loop3A_204] {strides = array<i32>} : memref<80x128xf32, #tpu.memory_space<vmem>>, vector<16xf32>,
            %parallel_loop3A_206 = arith.mulf %parallel_loop3A_205, %parallel_loop3A_157 : vector<16xf32>
            %parallel_loop3A_207 = arith.index_cast %parallel_loop3A_129 : i32 to index
            %parallel_loop3A_208 = arith.constant 16 : index
            %parallel_loop3A_209 = tpu.vector_load %arg20[%parallel_loop3A_207, %parallel_loop3A_208] {strides = array<i32>} : memref<80x80xf32, #tpu.memory_space<vmem>>, vector<16xf32>,
            tpu.vector_store %arg20[%parallel_loop3A_207, %parallel_loop3A_208], %parallel_loop3A_206 {strides = array<i32>} : memref<80x80xf32, #tpu.memory_space<vmem>>, vector<16xf32>,
            %parallel_loop3A_210 = arith.index_cast %parallel_loop3A_129 : i32 to index
            %parallel_loop3A_211 = arith.constant 96 : index
            %parallel_loop3A_212 = tpu.vector_load %arg16[%parallel_loop3A_210, %parallel_loop3A_211] {strides = array<i32>} : memref<80x128xf32, #tpu.memory_space<vmem>>, vector<16xf32>,
            %parallel_loop3A_213 = arith.mulf %parallel_loop3A_212, %parallel_loop3A_171 : vector<16xf32>
            %parallel_loop3A_214 = arith.index_cast %parallel_loop3A_129 : i32 to index
            %parallel_loop3A_215 = arith.constant 32 : index
            %parallel_loop3A_216 = tpu.vector_load %arg20[%parallel_loop3A_214, %parallel_loop3A_215] {strides = array<i32>} : memref<80x80xf32, #tpu.memory_space<vmem>>, vector<16xf32>,
            tpu.vector_store %arg20[%parallel_loop3A_214, %parallel_loop3A_215], %parallel_loop3A_213 {strides = array<i32>} : memref<80x80xf32, #tpu.memory_space<vmem>>, vector<16xf32>,
            %parallel_loop3A_217 = arith.index_cast %parallel_loop3A_129 : i32 to index
            %parallel_loop3A_218 = arith.constant 112 : index
            %parallel_loop3A_219 = tpu.vector_load %arg16[%parallel_loop3A_217, %parallel_loop3A_218] {strides = array<i32>} : memref<80x128xf32, #tpu.memory_space<vmem>>, vector<16xf32>,
            %parallel_loop3A_220 = arith.mulf %parallel_loop3A_219, %parallel_loop3A_185 : vector<16xf32>
            %parallel_loop3A_221 = arith.index_cast %parallel_loop3A_129 : i32 to index
            %parallel_loop3A_222 = arith.constant 48 : index
            %parallel_loop3A_223 = tpu.vector_load %arg20[%parallel_loop3A_221, %parallel_loop3A_222] {strides = array<i32>} : memref<80x80xf32, #tpu.memory_space<vmem>>, vector<16xf32>,
            tpu.vector_store %arg20[%parallel_loop3A_221, %parallel_loop3A_222], %parallel_loop3A_220 {strides = array<i32>} : memref<80x80xf32, #tpu.memory_space<vmem>>, vector<16xf32>,
          } {sc.loop_unroll_factor = 1 : i64, sc.parallel_access}
          %scan3A_121 = arith.constant 0 : i32
          %scan3A_122 = arith.constant 5 : i32
          %scan3A_123 = arith.addi %scan3A_121, %scan3A_122 : i32
          %scan3A_124 = arith.constant 1 : i32
          scf.for %scan3A_129 = %scan3A_121 to %scan3A_123 step %scan3A_124  : i32 {
            %mul3A_130 = arith.constant 16 : i32
            %mul3A_131 = arith.muli %scan3A_129, %mul3A_130 : i32
            %add3A_132 = arith.constant 0 : i32
            %add3A_133 = arith.addi %add3A_132, %mul3A_131 : i32
            %get3A = arith.index_cast %add3A_133 : i32 to index
            %get3A_134 = tpu.vector_load %arg10[%get3A] {strides = array<i32>} : memref<80xi32, #tpu.memory_space<vmem>>, vector<16xi32>,
            %swap3A = arith.index_cast %add3A_133 : i32 to index
            %swap3A_135 = tpu.vector_load %arg14[%swap3A] {strides = array<i32>} : memref<80xi32, #tpu.memory_space<vmem>>, vector<16xi32>,
            tpu.vector_store %arg14[%swap3A], %get3A_134 {strides = array<i32>} : memref<80xi32, #tpu.memory_space<vmem>>, vector<16xi32>,
          }
          %scan3A_125 = arith.constant 5 : i32
          %dma_start3A_126 = arith.constant 0 : i32
          %dma_start3A_127 = arith.constant 0 : i32
          %dma_start3A_128 = tpu.memref_slice %arg23[%dma_start3A_126, %dma_start3A_127] : memref<10000x80xf32, #tpu.memory_space<vmem_shared>> -> memref<10000x80xf32, #tpu.memory_space<vmem_shared>>
          tpu.enqueue_indirect_dma source(%arg20 : memref<80x80xf32, #tpu.memory_space<vmem>>) target(%dma_start3A_128 : memref<10000x80xf32, #tpu.memory_space<vmem_shared>>) offsets(%arg14 : memref<80xi32, #tpu.memory_space<vmem>>) semaphore(%arg27 : memref<!tpu.dma_semaphore, #tpu.memory_space<semaphore_mem>>) {add = true}
        } else {
        }
      }
      %scan3A_50 = arith.constant 63 : i32
      %dma_wait3A = arith.constant 0 : i32
      %dma_wait3A_51 = arith.constant 0 : i32
      %dma_wait3A_52 = tpu.memref_slice %arg23[%dma_wait3A, %dma_wait3A_51] : memref<10000x80xf32, #tpu.memory_space<vmem_shared>> -> memref<10000x80xf32, #tpu.memory_space<vmem_shared>>
      tpu.wait_indirect_dma semaphore(%arg27 : memref<!tpu.dma_semaphore, #tpu.memory_space<semaphore_mem>>) src(%arg20 : memref<80x80xf32, #tpu.memory_space<vmem>>) dst(%dma_wait3A_52 : memref<10000x80xf32, #tpu.memory_space<vmem_shared>>)
      %dma_wait3A_53 = arith.constant 0 : i32
      %dma_wait3A_54 = arith.constant 0 : i32
      %dma_wait3A_55 = tpu.memref_slice %arg23[%dma_wait3A_53, %dma_wait3A_54] : memref<10000x80xf32, #tpu.memory_space<vmem_shared>> -> memref<10000x80xf32, #tpu.memory_space<vmem_shared>>
      tpu.wait_indirect_dma semaphore(%arg26 : memref<!tpu.dma_semaphore, #tpu.memory_space<semaphore_mem>>) src(%arg19 : memref<80x80xf32, #tpu.memory_space<vmem>>) dst(%dma_wait3A_55 : memref<10000x80xf32, #tpu.memory_space<vmem_shared>>)
      %barrier3A_56 = arith.constant 0 : index
      tpu.barrier barrier_id(%barrier3A_56)
      %scan3A_57 = arith.constant 0 : i32
      %scan3A_58 = arith.constant 4 : i32
      %scan3A_59 = arith.addi %scan3A_57, %scan3A_58 : i32
      %scan3A_60 = arith.constant 1 : i32
      scf.for %scan3A_63 = %scan3A_57 to %scan3A_59 step %scan3A_60  : i32 {
        %mul3A_64 = arith.constant 1 : i32
        %mul3A_65 = arith.muli %scan3A_63, %mul3A_64 : i32
        %add3A_66 = arith.constant 0 : i32
        %add3A_67 = arith.addi %add3A_66, %mul3A_65 : i32
        %mul3A_68 = arith.constant 16 : i32
        %mul3A_69 = arith.muli %mul3A_68, %add3A_67 : i32
        %add3A_70 = arith.addi %arg1, %mul3A_69 : i32
        %lt3A = arith.constant 50 : i32
        %lt3A_71 = arith.cmpi slt, %add3A_70, %lt3A : i32
        %convert_element_type3A = arith.extui %lt3A_71 : i1 to i32
        %cond3A = arith.constant 0 : i32
        %cond3A_72 = arith.cmpi ne, %convert_element_type3A, %cond3A : i32
        scf.if %cond3A_72 {
          %mul3A_73 = arith.constant 200 : i32
          %mul3A_74 = arith.muli %add3A_70, %mul3A_73 : i32
          "tpu.region"() ({
            %run_scoped3A = tpu.sem_alloc : memref<!tpu.dma_semaphore, #tpu.memory_space<semaphore_mem>>
            %dma_start3A_84 = arith.constant 0 : i32
            %dma_start3A_85 = tpu.memref_slice %arg23[%mul3A_74, %dma_start3A_84] : memref<10000x80xf32, #tpu.memory_space<vmem_shared>> -> memref<200x80xf32, #tpu.memory_space<vmem_shared>>
            %dma_start3A_86 = arith.constant 0 : i32
            %dma_start3A_87 = tpu.memref_slice %arg23[%mul3A_74, %dma_start3A_86] : memref<10000x80xf32, #tpu.memory_space<vmem_shared>> -> memref<200x80xf32, #tpu.memory_space<vmem_shared>>
            tpu.enqueue_dma source(%dma_start3A_87 : memref<200x80xf32, #tpu.memory_space<vmem_shared>>) target(%arg21 : memref<200x80xf32, #tpu.memory_space<vmem>>) target_semaphore(%run_scoped3A : memref<!tpu.dma_semaphore, #tpu.memory_space<semaphore_mem>>)
            %dma_wait3A_88 = arith.constant 0 : i32
            %dma_wait3A_89 = tpu.memref_slice %arg23[%mul3A_74, %dma_wait3A_88] : memref<10000x80xf32, #tpu.memory_space<vmem_shared>> -> memref<200x80xf32, #tpu.memory_space<vmem_shared>>
            %dma_wait3A_90 = arith.constant 0 : i32
            %dma_wait3A_91 = tpu.memref_slice %arg23[%mul3A_74, %dma_wait3A_90] : memref<10000x80xf32, #tpu.memory_space<vmem_shared>> -> memref<200x80xf32, #tpu.memory_space<vmem_shared>>
            tpu.wait_dma2 semaphore(%run_scoped3A : memref<!tpu.dma_semaphore, #tpu.memory_space<semaphore_mem>>) src(%dma_wait3A_91 : memref<200x80xf32, #tpu.memory_space<vmem_shared>>) dst(%arg21 : memref<200x80xf32, #tpu.memory_space<vmem>>)
            tpu.yield
          }) : () -> ()
          %scan3A_75 = arith.constant 0 : i32
          %scan3A_76 = arith.constant 200 : i32
          %scan3A_77 = arith.addi %scan3A_75, %scan3A_76 : i32
          %scan3A_78 = arith.constant 1 : i32
          scf.for %scan3A_84 = %scan3A_75 to %scan3A_77 step %scan3A_78  : i32 {
            %mul3A_85 = arith.constant 1 : i32
            %mul3A_86 = arith.muli %scan3A_84, %mul3A_85 : i32
            %add3A_87 = arith.constant 0 : i32
            %add3A_88 = arith.addi %add3A_87, %mul3A_86 : i32
            %get3A = arith.index_cast %add3A_88 : i32 to index
            %get3A_89 = arith.constant 64 : index
            %get3A_90 = tpu.vector_load %arg21[%get3A, %get3A_89] {strides = array<i32>} : memref<200x80xf32, #tpu.memory_space<vmem>>, vector<16xf32>,
            %add3A_91 = arith.constant 1.000000e-16 : f32
            %add3A_92 = vector.broadcast %add3A_91 : f32 to vector<16xf32>
            %add3A_93 = arith.addf %get3A_90, %add3A_92 : vector<16xf32>
            %div3A = arith.constant 1.000000e+00 : f32
            %div3A_94 = vector.broadcast %div3A : f32 to vector<16xf32>
            %div3A_95 = arith.divf %div3A_94, %add3A_93 : vector<16xf32>
            %slice3A = vector.extract_strided_slice %div3A_95 {offsets = [0], sizes = [1], strides = [1]} : vector<16xf32> to vector<1xf32>
            %squeeze3A = vector.extract %slice3A[0] : f32 from vector<1xf32>
            %get3A_96 = arith.index_cast %add3A_88 : i32 to index
            %get3A_97 = arith.constant 0 : index
            %get3A_98 = tpu.vector_load %arg21[%get3A_96, %get3A_97] {strides = array<i32>} : memref<200x80xf32, #tpu.memory_space<vmem>>, vector<16xf32>,
            %mul3A_99 = vector.broadcast %squeeze3A : f32 to vector<16xf32>
            %mul3A_100 = arith.mulf %get3A_98, %mul3A_99 : vector<16xf32>
            %swap3A = arith.index_cast %add3A_88 : i32 to index
            %swap3A_101 = arith.constant 0 : index
            %swap3A_102 = tpu.vector_load %arg22[%swap3A, %swap3A_101] {strides = array<i32>} : memref<200x64xf32, #tpu.memory_space<vmem>>, vector<16xf32>,
            tpu.vector_store %arg22[%swap3A, %swap3A_101], %mul3A_100 {strides = array<i32>} : memref<200x64xf32, #tpu.memory_space<vmem>>, vector<16xf32>,
            %slice3A_103 = vector.extract_strided_slice %div3A_95 {offsets = [1], sizes = [1], strides = [1]} : vector<16xf32> to vector<1xf32>
            %squeeze3A_104 = vector.extract %slice3A_103[0] : f32 from vector<1xf32>
            %get3A_105 = arith.index_cast %add3A_88 : i32 to index
            %get3A_106 = arith.constant 16 : index
            %get3A_107 = tpu.vector_load %arg21[%get3A_105, %get3A_106] {strides = array<i32>} : memref<200x80xf32, #tpu.memory_space<vmem>>, vector<16xf32>,
            %mul3A_108 = vector.broadcast %squeeze3A_104 : f32 to vector<16xf32>
            %mul3A_109 = arith.mulf %get3A_107, %mul3A_108 : vector<16xf32>
            %swap3A_110 = arith.index_cast %add3A_88 : i32 to index
            %swap3A_111 = arith.constant 16 : index
            %swap3A_112 = tpu.vector_load %arg22[%swap3A_110, %swap3A_111] {strides = array<i32>} : memref<200x64xf32, #tpu.memory_space<vmem>>, vector<16xf32>,
            tpu.vector_store %arg22[%swap3A_110, %swap3A_111], %mul3A_109 {strides = array<i32>} : memref<200x64xf32, #tpu.memory_space<vmem>>, vector<16xf32>,
            %slice3A_113 = vector.extract_strided_slice %div3A_95 {offsets = [2], sizes = [1], strides = [1]} : vector<16xf32> to vector<1xf32>
            %squeeze3A_114 = vector.extract %slice3A_113[0] : f32 from vector<1xf32>
            %get3A_115 = arith.index_cast %add3A_88 : i32 to index
            %get3A_116 = arith.constant 32 : index
            %get3A_117 = tpu.vector_load %arg21[%get3A_115, %get3A_116] {strides = array<i32>} : memref<200x80xf32, #tpu.memory_space<vmem>>, vector<16xf32>,
            %mul3A_118 = vector.broadcast %squeeze3A_114 : f32 to vector<16xf32>
            %mul3A_119 = arith.mulf %get3A_117, %mul3A_118 : vector<16xf32>
            %swap3A_120 = arith.index_cast %add3A_88 : i32 to index
            %swap3A_121 = arith.constant 32 : index
            %swap3A_122 = tpu.vector_load %arg22[%swap3A_120, %swap3A_121] {strides = array<i32>} : memref<200x64xf32, #tpu.memory_space<vmem>>, vector<16xf32>,
            tpu.vector_store %arg22[%swap3A_120, %swap3A_121], %mul3A_119 {strides = array<i32>} : memref<200x64xf32, #tpu.memory_space<vmem>>, vector<16xf32>,
            %slice3A_123 = vector.extract_strided_slice %div3A_95 {offsets = [3], sizes = [1], strides = [1]} : vector<16xf32> to vector<1xf32>
            %squeeze3A_124 = vector.extract %slice3A_123[0] : f32 from vector<1xf32>
            %get3A_125 = arith.index_cast %add3A_88 : i32 to index
            %get3A_126 = arith.constant 48 : index
            %get3A_127 = tpu.vector_load %arg21[%get3A_125, %get3A_126] {strides = array<i32>} : memref<200x80xf32, #tpu.memory_space<vmem>>, vector<16xf32>,
            %mul3A_128 = vector.broadcast %squeeze3A_124 : f32 to vector<16xf32>
            %mul3A_129 = arith.mulf %get3A_127, %mul3A_128 : vector<16xf32>
            %swap3A_130 = arith.index_cast %add3A_88 : i32 to index
            %swap3A_131 = arith.constant 48 : index
            %swap3A_132 = tpu.vector_load %arg22[%swap3A_130, %swap3A_131] {strides = array<i32>} : memref<200x64xf32, #tpu.memory_space<vmem>>, vector<16xf32>,
            tpu.vector_store %arg22[%swap3A_130, %swap3A_131], %mul3A_129 {strides = array<i32>} : memref<200x64xf32, #tpu.memory_space<vmem>>, vector<16xf32>,
          }
          %scan3A_79 = arith.constant 200 : i32
          %mul3A_80 = arith.constant 10000 : i32
          %mul3A_81 = arith.muli %arg0, %mul3A_80 : i32
          %add3A_82 = arith.addi %mul3A_11, %mul3A_81 : i32
          %add3A_83 = arith.addi %add3A_82, %mul3A_74 : i32
          "tpu.region"() ({
            %run_scoped3A = tpu.sem_alloc : memref<!tpu.dma_semaphore, #tpu.memory_space<semaphore_mem>>
            %dma_start3A_84 = arith.constant 0 : i32
            %dma_start3A_85 = tpu.memref_slice %arg6[%add3A_83, %dma_start3A_84] : memref<40000x64xf32, #tpu.memory_space<hbm>> -> memref<200x64xf32, #tpu.memory_space<hbm>>
            %dma_start3A_86 = arith.constant 0 : i32
            %dma_start3A_87 = tpu.memref_slice %arg6[%add3A_83, %dma_start3A_86] : memref<40000x64xf32, #tpu.memory_space<hbm>> -> memref<200x64xf32, #tpu.memory_space<hbm>>
            tpu.enqueue_dma source(%arg22 : memref<200x64xf32, #tpu.memory_space<vmem>>) target(%dma_start3A_87 : memref<200x64xf32, #tpu.memory_space<hbm>>) target_semaphore(%run_scoped3A : memref<!tpu.dma_semaphore, #tpu.memory_space<semaphore_mem>>)
            %dma_wait3A_88 = arith.constant 0 : i32
            %dma_wait3A_89 = tpu.memref_slice %arg6[%add3A_83, %dma_wait3A_88] : memref<40000x64xf32, #tpu.memory_space<hbm>> -> memref<200x64xf32, #tpu.memory_space<hbm>>
            %dma_wait3A_90 = arith.constant 0 : i32
            %dma_wait3A_91 = tpu.memref_slice %arg6[%add3A_83, %dma_wait3A_90] : memref<40000x64xf32, #tpu.memory_space<hbm>> -> memref<200x64xf32, #tpu.memory_space<hbm>>
            tpu.wait_dma2 semaphore(%run_scoped3A : memref<!tpu.dma_semaphore, #tpu.memory_space<semaphore_mem>>) src(%arg22 : memref<200x64xf32, #tpu.memory_space<vmem>>) dst(%dma_wait3A_91 : memref<200x64xf32, #tpu.memory_space<hbm>>)
            tpu.yield
          }) : () -> ()
        } else {
        }
      }
      %scan3A_61 = arith.constant 4 : i32
      %barrier3A_62 = arith.constant 0 : index
      tpu.barrier barrier_id(%barrier3A_62)
    }
    %scan3A_4 = arith.constant 2 : i32
    return
  }
}

module attributes {stable_mosaic.version = 14 : i64} {
  func.func @_proj_body(%arg0: i32, %arg1: memref<2000x128xf32, #tpu.memory_space<vmem>>, %arg2: memref<2000x128xf32, #tpu.memory_space<vmem>>, %arg3: memref<128x384xf32, #tpu.memory_space<vmem>>, %arg4: memref<128x384xf32, #tpu.memory_space<vmem>>, %arg5: memref<2000x64xf32, #tpu.memory_space<vmem>>, %arg6: memref<2000x64xf32, #tpu.memory_space<vmem>>, %arg7: memref<2000x128xf32, #tpu.memory_space<vmem>>, %arg8: memref<2000x128xf32, #tpu.memory_space<vmem>>, %arg9: memref<2000x64xf32, #tpu.memory_space<vmem>>, %arg10: memref<2000x64xf32, #tpu.memory_space<vmem>>, %arg11: memref<2000x128xf32, #tpu.memory_space<vmem>>, %arg12: memref<2000x128xf32, #tpu.memory_space<vmem>>) attributes {dimension_semantics = [#tpu.dimension_semantics<arbitrary>], iteration_bounds = array<i64: 5>, scalar_prefetch = 0 : i64, scratch_operands = 0 : i64, tpu.core_type = #tpu.core_type<tc>, window_params = [{transform_indices = @transform_0, window_bounds = array<i64: 2000, 128>}, {transform_indices = @transform_1, window_bounds = array<i64: 2000, 128>}, {pipeline_mode = #tpu.pipeline_mode<synchronous>, transform_indices = @transform_2, window_bounds = array<i64: 128, 384>}, {pipeline_mode = #tpu.pipeline_mode<synchronous>, transform_indices = @transform_3, window_bounds = array<i64: 128, 384>}, {transform_indices = @transform_4, window_bounds = array<i64: 2000, 64>}, {transform_indices = @transform_5, window_bounds = array<i64: 2000, 64>}, {transform_indices = @transform_6, window_bounds = array<i64: 2000, 128>}, {transform_indices = @transform_7, window_bounds = array<i64: 2000, 128>}, {transform_indices = @transform_8, window_bounds = array<i64: 2000, 64>}, {transform_indices = @transform_9, window_bounds = array<i64: 2000, 64>}, {transform_indices = @transform_10, window_bounds = array<i64: 2000, 128>}, {transform_indices = @transform_11, window_bounds = array<i64: 2000, 128>}]} {
    %get3A = arith.constant 0 : index
    %get3A_0 = arith.constant 0 : index
    %get3A_1 = vector.load %arg1[%get3A, %get3A_0] : memref<2000x128xf32, #tpu.memory_space<vmem>>, vector<2000x128xf32>
    %get3A_2 = arith.constant 0 : index
    %get3A_3 = arith.constant 0 : index
    %get3A_4 = vector.load %arg2[%get3A_2, %get3A_3] : memref<2000x128xf32, #tpu.memory_space<vmem>>, vector<2000x128xf32>
    %get3A_5 = arith.constant 0 : index
    %get3A_6 = arith.constant 0 : index
    %get3A_7 = vector.load %arg3[%get3A_5, %get3A_6] : memref<128x384xf32, #tpu.memory_space<vmem>>, vector<128x384xf32>
    %dot_general3A = arith.constant dense<0.000000e+00> : vector<2000x384xf32>
    %dot_general3A_8 = tpu.matmul %get3A_1, %get3A_7, %dot_general3A {dimension_numbers = #tpu.dot_dimension_numbers<[1], [0], [0], [1], [0, 0, 1, 1], [], []>, transpose_lhs_hint = false} : vector<2000x128xf32>, vector<128x384xf32>, vector<2000x384xf32> -> vector<2000x384xf32>
    %get3A_9 = arith.constant 0 : index
    %get3A_10 = arith.constant 0 : index
    %get3A_11 = vector.load %arg4[%get3A_9, %get3A_10] : memref<128x384xf32, #tpu.memory_space<vmem>>, vector<128x384xf32>
    %dot_general3A_12 = arith.constant dense<0.000000e+00> : vector<2000x384xf32>
    %dot_general3A_13 = tpu.matmul %get3A_4, %get3A_11, %dot_general3A_12 {dimension_numbers = #tpu.dot_dimension_numbers<[1], [0], [0], [1], [0, 0, 1, 1], [], []>, transpose_lhs_hint = false} : vector<2000x128xf32>, vector<128x384xf32>, vector<2000x384xf32> -> vector<2000x384xf32>
    %slice3A = vector.extract_strided_slice %dot_general3A_8 {offsets = [0, 0], sizes = [2000, 64], strides = [1, 1]} : vector<2000x384xf32> to vector<2000x64xf32>
    %swap3A = arith.constant 0 : index
    %swap3A_14 = arith.constant 0 : index
    %swap3A_15 = vector.load %arg5[%swap3A, %swap3A_14] : memref<2000x64xf32, #tpu.memory_space<vmem>>, vector<2000x64xf32>
    tpu.vector_store %arg5[%swap3A, %swap3A_14], %slice3A {strides = array<i32>} : memref<2000x64xf32, #tpu.memory_space<vmem>>, vector<2000x64xf32>,
    %slice3A_16 = vector.extract_strided_slice %dot_general3A_8 {offsets = [0, 64], sizes = [2000, 64], strides = [1, 1]} : vector<2000x384xf32> to vector<2000x64xf32>
    %swap3A_17 = arith.constant 0 : index
    %swap3A_18 = arith.constant 0 : index
    %swap3A_19 = vector.load %arg6[%swap3A_17, %swap3A_18] : memref<2000x64xf32, #tpu.memory_space<vmem>>, vector<2000x64xf32>
    tpu.vector_store %arg6[%swap3A_17, %swap3A_18], %slice3A_16 {strides = array<i32>} : memref<2000x64xf32, #tpu.memory_space<vmem>>, vector<2000x64xf32>,
    %slice3A_20 = vector.extract_strided_slice %dot_general3A_8 {offsets = [0, 128], sizes = [2000, 128], strides = [1, 1]} : vector<2000x384xf32> to vector<2000x128xf32>
    %swap3A_21 = arith.constant 0 : index
    %swap3A_22 = arith.constant 0 : index
    %swap3A_23 = vector.load %arg7[%swap3A_21, %swap3A_22] : memref<2000x128xf32, #tpu.memory_space<vmem>>, vector<2000x128xf32>
    tpu.vector_store %arg7[%swap3A_21, %swap3A_22], %slice3A_20 {strides = array<i32>} : memref<2000x128xf32, #tpu.memory_space<vmem>>, vector<2000x128xf32>,
    %slice3A_24 = vector.extract_strided_slice %dot_general3A_8 {offsets = [0, 256], sizes = [2000, 128], strides = [1, 1]} : vector<2000x384xf32> to vector<2000x128xf32>
    %swap3A_25 = arith.constant 0 : index
    %swap3A_26 = arith.constant 0 : index
    %swap3A_27 = vector.load %arg8[%swap3A_25, %swap3A_26] : memref<2000x128xf32, #tpu.memory_space<vmem>>, vector<2000x128xf32>
    tpu.vector_store %arg8[%swap3A_25, %swap3A_26], %slice3A_24 {strides = array<i32>} : memref<2000x128xf32, #tpu.memory_space<vmem>>, vector<2000x128xf32>,
    %slice3A_28 = vector.extract_strided_slice %dot_general3A_13 {offsets = [0, 0], sizes = [2000, 64], strides = [1, 1]} : vector<2000x384xf32> to vector<2000x64xf32>
    %swap3A_29 = arith.constant 0 : index
    %swap3A_30 = arith.constant 0 : index
    %swap3A_31 = vector.load %arg9[%swap3A_29, %swap3A_30] : memref<2000x64xf32, #tpu.memory_space<vmem>>, vector<2000x64xf32>
    tpu.vector_store %arg9[%swap3A_29, %swap3A_30], %slice3A_28 {strides = array<i32>} : memref<2000x64xf32, #tpu.memory_space<vmem>>, vector<2000x64xf32>,
    %slice3A_32 = vector.extract_strided_slice %dot_general3A_13 {offsets = [0, 64], sizes = [2000, 64], strides = [1, 1]} : vector<2000x384xf32> to vector<2000x64xf32>
    %swap3A_33 = arith.constant 0 : index
    %swap3A_34 = arith.constant 0 : index
    %swap3A_35 = vector.load %arg10[%swap3A_33, %swap3A_34] : memref<2000x64xf32, #tpu.memory_space<vmem>>, vector<2000x64xf32>
    tpu.vector_store %arg10[%swap3A_33, %swap3A_34], %slice3A_32 {strides = array<i32>} : memref<2000x64xf32, #tpu.memory_space<vmem>>, vector<2000x64xf32>,
    %slice3A_36 = vector.extract_strided_slice %dot_general3A_13 {offsets = [0, 128], sizes = [2000, 128], strides = [1, 1]} : vector<2000x384xf32> to vector<2000x128xf32>
    %swap3A_37 = arith.constant 0 : index
    %swap3A_38 = arith.constant 0 : index
    %swap3A_39 = vector.load %arg11[%swap3A_37, %swap3A_38] : memref<2000x128xf32, #tpu.memory_space<vmem>>, vector<2000x128xf32>
    tpu.vector_store %arg11[%swap3A_37, %swap3A_38], %slice3A_36 {strides = array<i32>} : memref<2000x128xf32, #tpu.memory_space<vmem>>, vector<2000x128xf32>,
    %slice3A_40 = vector.extract_strided_slice %dot_general3A_13 {offsets = [0, 256], sizes = [2000, 128], strides = [1, 1]} : vector<2000x384xf32> to vector<2000x128xf32>
    %swap3A_41 = arith.constant 0 : index
    %swap3A_42 = arith.constant 0 : index
    %swap3A_43 = vector.load %arg12[%swap3A_41, %swap3A_42] : memref<2000x128xf32, #tpu.memory_space<vmem>>, vector<2000x128xf32>
    tpu.vector_store %arg12[%swap3A_41, %swap3A_42], %slice3A_40 {strides = array<i32>} : memref<2000x128xf32, #tpu.memory_space<vmem>>, vector<2000x128xf32>,
    return
  }
  func.func @transform_0(%arg0: i32) -> (i32, i32) {
    %c0_i32 = arith.constant 0 : i32
    %c0_i32_0 = arith.constant 0 : i32
    return %arg0, %c0_i32 : i32, i32
  }
  func.func @transform_1(%arg0: i32) -> (i32, i32) {
    %c0_i32 = arith.constant 0 : i32
    %c0_i32_0 = arith.constant 0 : i32
    return %arg0, %c0_i32 : i32, i32
  }
  func.func @transform_2(%arg0: i32) -> (i32, i32) {
    %c0_i32 = arith.constant 0 : i32
    %c0_i32_0 = arith.constant 0 : i32
    %c0_i32_1 = arith.constant 0 : i32
    return %c0_i32, %c0_i32_0 : i32, i32
  }
  func.func @transform_3(%arg0: i32) -> (i32, i32) {
    %c0_i32 = arith.constant 0 : i32
    %c0_i32_0 = arith.constant 0 : i32
    %c0_i32_1 = arith.constant 0 : i32
    return %c0_i32, %c0_i32_0 : i32, i32
  }
  func.func @transform_4(%arg0: i32) -> (i32, i32) {
    %c0_i32 = arith.constant 0 : i32
    %c0_i32_0 = arith.constant 0 : i32
    return %arg0, %c0_i32 : i32, i32
  }
  func.func @transform_5(%arg0: i32) -> (i32, i32) {
    %c0_i32 = arith.constant 0 : i32
    %c0_i32_0 = arith.constant 0 : i32
    return %arg0, %c0_i32 : i32, i32
  }
  func.func @transform_6(%arg0: i32) -> (i32, i32) {
    %c0_i32 = arith.constant 0 : i32
    %c0_i32_0 = arith.constant 0 : i32
    return %arg0, %c0_i32 : i32, i32
  }
  func.func @transform_7(%arg0: i32) -> (i32, i32) {
    %c0_i32 = arith.constant 0 : i32
    %c0_i32_0 = arith.constant 0 : i32
    return %arg0, %c0_i32 : i32, i32
  }
  func.func @transform_8(%arg0: i32) -> (i32, i32) {
    %c0_i32 = arith.constant 0 : i32
    %c0_i32_0 = arith.constant 0 : i32
    return %arg0, %c0_i32 : i32, i32
  }
  func.func @transform_9(%arg0: i32) -> (i32, i32) {
    %c0_i32 = arith.constant 0 : i32
    %c0_i32_0 = arith.constant 0 : i32
    return %arg0, %c0_i32 : i32, i32
  }
  func.func @transform_10(%arg0: i32) -> (i32, i32) {
    %c0_i32 = arith.constant 0 : i32
    %c0_i32_0 = arith.constant 0 : i32
    return %arg0, %c0_i32 : i32, i32
  }
  func.func @transform_11(%arg0: i32) -> (i32, i32) {
    %c0_i32 = arith.constant 0 : i32
    %c0_i32_0 = arith.constant 0 : i32
    return %arg0, %c0_i32 : i32, i32
  }
}

module attributes {stable_mosaic.version = 14 : i64} {
  func.func @_ln_elu_body(%arg0: i32, %arg1: memref<2000x64xf32, #tpu.memory_space<vmem>>, %arg2: memref<2000x64xf32, #tpu.memory_space<vmem>>, %arg3: memref<2000x128xf32, #tpu.memory_space<vmem>>, %arg4: memref<1x128xf32, #tpu.memory_space<vmem>>, %arg5: memref<1x128xf32, #tpu.memory_space<vmem>>, %arg6: memref<2000x128xf32, #tpu.memory_space<vmem>>) attributes {dimension_semantics = [#tpu.dimension_semantics<arbitrary>], iteration_bounds = array<i64: 5>, scalar_prefetch = 0 : i64, scratch_operands = 0 : i64, tpu.core_type = #tpu.core_type<tc>, window_params = [{transform_indices = @transform_0, window_bounds = array<i64: 2000, 64>}, {transform_indices = @transform_1, window_bounds = array<i64: 2000, 64>}, {transform_indices = @transform_2, window_bounds = array<i64: 2000, 128>}, {pipeline_mode = #tpu.pipeline_mode<synchronous>, transform_indices = @transform_3, window_bounds = array<i64: 1, 128>}, {pipeline_mode = #tpu.pipeline_mode<synchronous>, transform_indices = @transform_4, window_bounds = array<i64: 1, 128>}, {transform_indices = @transform_5, window_bounds = array<i64: 2000, 128>}]} {
    %get3A = arith.constant 0 : index
    %get3A_0 = arith.constant 0 : index
    %get3A_1 = vector.load %arg1[%get3A, %get3A_0] : memref<2000x64xf32, #tpu.memory_space<vmem>>, vector<2000x64xf32>
    %get3A_2 = arith.constant 0 : index
    %get3A_3 = arith.constant 0 : index
    %get3A_4 = vector.load %arg2[%get3A_2, %get3A_3] : memref<2000x64xf32, #tpu.memory_space<vmem>>, vector<2000x64xf32>
    %concatenate3A = tpu.concatenate %get3A_1, %get3A_4 in 1 : vector<2000x64xf32>, vector<2000x64xf32> -> vector<2000x128xf32>
    %get3A_5 = arith.constant 0 : index
    %get3A_6 = arith.constant 0 : index
    %get3A_7 = vector.load %arg3[%get3A_5, %get3A_6] : memref<2000x128xf32, #tpu.memory_space<vmem>>, vector<2000x128xf32>
    %add3A = arith.addf %concatenate3A, %get3A_7 : vector<2000x128xf32>
    %reduce_sum3A = arith.constant dense<0.000000e+00> : vector<2000xf32>
    %reduce_sum3A_8 = vector.multi_reduction <add>, %add3A, %reduce_sum3A [1] : vector<2000x128xf32> to vector<2000xf32>
    %broadcast_in_dim3A = vector.shape_cast %reduce_sum3A_8 : vector<2000xf32> to vector<2000x1xf32>
    %div3A = arith.constant 1.280000e+02 : f32
    %div3A_9 = vector.broadcast %div3A : f32 to vector<2000x1xf32>
    %div3A_10 = arith.divf %broadcast_in_dim3A, %div3A_9 : vector<2000x1xf32>
    %sub3A = vector.broadcast %div3A_10 : vector<2000x1xf32> to vector<2000x128xf32>
    %sub3A_11 = arith.subf %add3A, %sub3A : vector<2000x128xf32>
    %mul3A = arith.mulf %sub3A_11, %sub3A_11 : vector<2000x128xf32>
    %reduce_sum3A_12 = arith.constant dense<0.000000e+00> : vector<2000xf32>
    %reduce_sum3A_13 = vector.multi_reduction <add>, %mul3A, %reduce_sum3A_12 [1] : vector<2000x128xf32> to vector<2000xf32>
    %broadcast_in_dim3A_14 = vector.shape_cast %reduce_sum3A_13 : vector<2000xf32> to vector<2000x1xf32>
    %div3A_15 = arith.constant 1.280000e+02 : f32
    %div3A_16 = vector.broadcast %div3A_15 : f32 to vector<2000x1xf32>
    %div3A_17 = arith.divf %broadcast_in_dim3A_14, %div3A_16 : vector<2000x1xf32>
    %add3A_18 = arith.constant 9.99999974E-6 : f32
    %add3A_19 = vector.broadcast %add3A_18 : f32 to vector<2000x1xf32>
    %add3A_20 = arith.addf %div3A_17, %add3A_19 : vector<2000x1xf32>
    %rsqrt3A = math.rsqrt %add3A_20 : vector<2000x1xf32>
    %mul3A_21 = vector.broadcast %rsqrt3A : vector<2000x1xf32> to vector<2000x128xf32>
    %mul3A_22 = arith.mulf %sub3A_11, %mul3A_21 : vector<2000x128xf32>
    %get3A_23 = arith.constant 0 : index
    %get3A_24 = arith.constant 0 : index
    %get3A_25 = vector.load %arg4[%get3A_23, %get3A_24] : memref<1x128xf32, #tpu.memory_space<vmem>>, vector<1x128xf32>
    %mul3A_26 = vector.broadcast %get3A_25 : vector<1x128xf32> to vector<2000x128xf32>
    %mul3A_27 = arith.mulf %mul3A_22, %mul3A_26 : vector<2000x128xf32>
    %get3A_28 = arith.constant 0 : index
    %get3A_29 = arith.constant 0 : index
    %get3A_30 = vector.load %arg5[%get3A_28, %get3A_29] : memref<1x128xf32, #tpu.memory_space<vmem>>, vector<1x128xf32>
    %add3A_31 = vector.broadcast %get3A_30 : vector<1x128xf32> to vector<2000x128xf32>
    %add3A_32 = arith.addf %mul3A_27, %add3A_31 : vector<2000x128xf32>
    %gt3A = arith.constant 0.000000e+00 : f32
    %gt3A_33 = vector.broadcast %gt3A : f32 to vector<2000x128xf32>
    %gt3A_34 = arith.cmpf ogt, %add3A_32, %gt3A_33 : vector<2000x128xf32>
    %exp3A = math.exp %add3A_32 : vector<2000x128xf32>
    %sub3A_35 = arith.constant 1.000000e+00 : f32
    %sub3A_36 = vector.broadcast %sub3A_35 : f32 to vector<2000x128xf32>
    %sub3A_37 = arith.subf %exp3A, %sub3A_36 : vector<2000x128xf32>
    %select_n3A = arith.select %gt3A_34, %add3A_32, %sub3A_37 : vector<2000x128xi1>, vector<2000x128xf32>
    %swap3A = arith.constant 0 : index
    %swap3A_38 = arith.constant 0 : index
    %swap3A_39 = vector.load %arg6[%swap3A, %swap3A_38] : memref<2000x128xf32, #tpu.memory_space<vmem>>, vector<2000x128xf32>
    tpu.vector_store %arg6[%swap3A, %swap3A_38], %select_n3A {strides = array<i32>} : memref<2000x128xf32, #tpu.memory_space<vmem>>, vector<2000x128xf32>,
    return
  }
  func.func @transform_0(%arg0: i32) -> (i32, i32) {
    %c0_i32 = arith.constant 0 : i32
    %c0_i32_0 = arith.constant 0 : i32
    return %arg0, %c0_i32 : i32, i32
  }
  func.func @transform_1(%arg0: i32) -> (i32, i32) {
    %c0_i32 = arith.constant 0 : i32
    %c0_i32_0 = arith.constant 0 : i32
    return %arg0, %c0_i32 : i32, i32
  }
  func.func @transform_2(%arg0: i32) -> (i32, i32) {
    %c0_i32 = arith.constant 0 : i32
    %c0_i32_0 = arith.constant 0 : i32
    return %arg0, %c0_i32 : i32, i32
  }
  func.func @transform_3(%arg0: i32) -> (i32, i32) {
    %c0_i32 = arith.constant 0 : i32
    %c0_i32_0 = arith.constant 0 : i32
    %c0_i32_1 = arith.constant 0 : i32
    return %c0_i32, %c0_i32_0 : i32, i32
  }
  func.func @transform_4(%arg0: i32) -> (i32, i32) {
    %c0_i32 = arith.constant 0 : i32
    %c0_i32_0 = arith.constant 0 : i32
    %c0_i32_1 = arith.constant 0 : i32
    return %c0_i32, %c0_i32_0 : i32, i32
  }
  func.func @transform_5(%arg0: i32) -> (i32, i32) {
    %c0_i32 = arith.constant 0 : i32
    %c0_i32_0 = arith.constant 0 : i32
    return %arg0, %c0_i32 : i32, i32
  }
}

</mosaic_0001>

<sc_bundles>
// kernel: kernel.6.cloned.1.call-start
scs
__scs_entry_jumppad:
0x0: {  	(pc) =	sbr.rel $0x88, $3  }
0x1: {  	(tag) =	ssettag $0x0;
	lr =	simm.s32 $0x1  }
0x2: {  	[smem:$0x3F8D] =	sst lr;
	_ =	strace $0xD0000000  }
0x3: {  	_ = 	snop  }
0x4: {  	_ = 	snop  }
0x5: {  	_ = 	snop  }
0x6: {  	_ = 	snop  }
0x7: {  	_ = 	snop  }
__scs_overlays_trampoline_lowered:
0x8: {  	[smem:$0x3F9C] =	sst s0  }
0x9: {  	[smem:$0x3F9D] =	sst s1  }
0xa: {  	[smem:$0x3F9E] =	sst s2  }
0xb: {  	[smem:$0x3F9F] =	sst s3  }
0xc: {  	[smem:$0x3FA0] =	sst s4  }
0xd: {  	[smem:$0x3FA1] =	sst s5  }
0xe: {  	[smem:$0x3FA2] =	sst s6  }
0xf: {  	[smem:$0x3FA3] =	sst s7  }
0x10: {  	[smem:$0x3FA4] =	sst s8  }
0x11: {  	[smem:$0x3FA5] =	sst s9;
	s0 =	simm.s32 @!p0 $0x0  }
0x12: {  	s1 =	sld [smem:$0x3F8B];
	s0 =	simm.s32 @p0 $0x1  }
0x13: {  	[smem:$0x3FA6] =	sst s0;
	s0 =	simm.s32 @!p1 $0x0  }
0x14: {  	s2 =	sld [smem:$0x3F8A];
	s0 =	simm.s32 @p1 $0x1  }
0x15: {  	[smem:$0x3FA7] =	sst s0;
	s0 =	simm.s32 @!p2 $0x0  }
0x16: {  	s3 =	sld [smem:$0x3FDB];
	s0 =	simm.s32 @p2 $0x1  }
0x17: {  	s4 =	simm.s32 $0x1BF5;
	[smem:$0x3FA9] =	sst s0  }
0x18: {  	s0 =	sld [smem:$0x3F8C];
	_ =	swait.ge [sflag:s4], $0x0  }
0x19: {  	s7 =	sld [smem:$0x3F8D]  }
0x1a: {  	s8 =	sadd.s32 $0xFFFFE003, lr  }
0x1b: {  	s9 =	sadd.s32 $0xFFFFFEF7, lr;
	s5 =	simm.s32 $0xFFFFFFFF;
	p2 =	slt.u32 s8, $0xFFFFF086  }
0x1c: {  	p1 =	slt.u32 s9, $0xF7A;
	s5 =	simm.s32 @!p2 $0x0  }
0x1d: {  	s5 =	simm.s32 @p1 $0x1;
	p0 =	seq.s32 s7, s2  }
0x1e: {  	s7 =	smul.u32 @!p0 $0xF7A, s2;
	p2 =	seq.s32 @!p0 s5, $0x0  }
0x1f: {  	s9 =	smul.u32 $0xF7A, s1;
	s8 =	simm.s32 @!p0 $0x1BF5;
	p2 =	por !p2, p0  }
0x20: {  	[sflag:s8] =	ssyncset.s32 @!p0 $0xFFFFF086;
	s6 =	sadd.s32 @!p0 s3, s7;
	s7 =	simm.s32 @!p0 $0x108  }
0x21: {  	s3 =	sadd.s32 s3, s9;
	s6 =	sadd.s32 @!p0 $0x88, s6;
	s7 =	simm.s32 @p2 $0x1082  }
0x22: {  	[simem:s7], [sflag:s8] =	dma.local @!p0 [hbm:s6], $0xF7A  }
0x23: {  	s9 =	sor.u32 $0xD0000000, s2;
	s6 =	simm.s32 $0x108;
	_ =	swait.ge @!p0 [sflag:s8], $0x0  }
0x24: {  	s3 =	sadd.s32 $0x88, s3;
	s6 =	simm.s32 @!p1 $0x1082;
	[sflag:s4] =	ssyncset.s32 $0xFFFFF086  }
0x25: {  	[simem:s6], [sflag:s4] =	dma.local [hbm:s3], $0xF7A  }
0x26: {  	[smem:$0x3F8D] =	sst s1;
	(tag) =	ssettag s2;
	_ =	strace s9  }
0x27: {  	s1 =	sld [smem:$0x3F9D]  }
0x28: {  	s2 =	sld [smem:$0x3F9E]  }
0x29: {  	s4 =	sld [smem:$0x3FA0]  }
0x2a: {  	p0 =	seq.s32 s5, $0x0;
	s5 =	sld [smem:$0x3FA1]  }
0x2b: {  	s6 =	sld [smem:$0x3FA2]  }
0x2c: {  	s7 =	sld [smem:$0x3FA3]  }
0x2d: {  	s3 =	simm.s32 $0x108;
	s8 =	sld [smem:$0x3FA4]  }
0x2e: {  	s3 =	simm.s32 @!p0 $0x1082;
	s9 =	sld [smem:$0x3FA5]  }
0x2f: {  	lr =	sadd.s32 s0, s3;
	s0 =	sld [smem:$0x3F9C]  }
0x30: {  	s3 =	sld [smem:$0x3F9F]  }
0x31: {  	[smem:$0x3FA8] =	sst s10  }
0x32: {  	s10 =	sld [smem:$0x3FA6];
	_ =	sdelay $0x3  }
0x33: {  	p0 =	seq.s32 s10, $0x1;
	s10 =	sld [smem:$0x3FA8];
	_ =	sdelay $0x3  }
0x34: {  	[smem:$0x3FA8] =	sst s10  }
0x35: {  	s10 =	sld [smem:$0x3FA7];
	_ =	sdelay $0x3  }
0x36: {  	p1 =	seq.s32 s10, $0x1;
	s10 =	sld [smem:$0x3FA8];
	_ =	sdelay $0x3  }
0x37: {  	[smem:$0x3FA8] =	sst s10  }
0x38: {  	s10 =	sld [smem:$0x3FA9]  }
0x39: {  	_ = 	snop;
	(pc) =	sbr.ind lr, $3  }
0x3a: {  	_ = 	snop  }
0x3b: {  	_ = 	snop  }
0x3c: {  	p2 =	seq.s32 s10, $0x1;
	s10 =	sld [smem:$0x3FA8]  }
0x3d: {  	_ =	shalt  }
0x3e: {  	_ =	shalt  }
0x3f: {  	_ =	shalt  }
0x40: {  	_ =	shalt  }
0x41: {  	_ =	shalt  }
0x42: {  	_ =	shalt  }
0x43: {  	_ =	shalt  }
0x44: {  	_ =	shalt  }
0x45: {  	_ =	shalt  }
0x46: {  	_ =	shalt  }
0x47: {  	_ =	shalt  }
0x48: {  	_ =	shalt  }
0x49: {  	_ =	shalt  }
0x4a: {  	_ =	shalt  }
0x4b: {  	_ =	shalt  }
0x4c: {  	_ =	shalt  }
0x4d: {  	_ =	shalt  }
0x4e: {  	_ =	shalt  }
0x4f: {  	_ =	shalt  }
0x50: {  	_ =	shalt  }
0x51: {  	_ =	shalt  }
0x52: {  	_ =	shalt  }
0x53: {  	_ =	shalt  }
0x54: {  	_ =	shalt  }
0x55: {  	_ =	shalt  }
0x56: {  	_ =	shalt  }
0x57: {  	_ =	shalt  }
0x58: {  	_ =	shalt  }
0x59: {  	_ =	shalt  }
0x5a: {  	_ =	shalt  }
0x5b: {  	_ =	shalt  }
0x5c: {  	_ =	shalt  }
0x5d: {  	_ =	shalt  }
0x5e: {  	_ =	shalt  }
0x5f: {  	_ =	shalt  }
0x60: {  	_ =	shalt  }
0x61: {  	_ =	shalt  }
0x62: {  	_ =	shalt  }
0x63: {  	_ =	shalt  }
0x64: {  	_ =	shalt  }
0x65: {  	_ =	shalt  }
0x66: {  	_ =	shalt  }
0x67: {  	_ =	shalt  }
0x68: {  	_ =	shalt  }
0x69: {  	_ =	shalt  }
0x6a: {  	_ =	shalt  }
0x6b: {  	_ =	shalt  }
0x6c: {  	_ =	shalt  }
0x6d: {  	_ =	shalt  }
0x6e: {  	_ =	shalt  }
0x6f: {  	_ =	shalt  }
0x70: {  	_ =	shalt  }
0x71: {  	_ =	shalt  }
0x72: {  	_ =	shalt  }
0x73: {  	_ =	shalt  }
0x74: {  	_ =	shalt  }
0x75: {  	_ =	shalt  }
0x76: {  	_ =	shalt  }
0x77: {  	_ =	shalt  }
0x78: {  	_ =	shalt  }
0x79: {  	_ =	shalt  }
0x7a: {  	_ =	shalt  }
0x7b: {  	_ =	shalt  }
0x7c: {  	_ =	shalt  }
0x7d: {  	_ =	shalt  }
0x7e: {  	_ =	shalt  }
0x7f: {  	_ =	shalt  }
0x80: {  	_ =	shalt  }
0x81: {  	_ =	shalt  }
0x82: {  	_ =	shalt  }
0x83: {  	_ =	shalt  }
0x84: {  	_ =	shalt  }
0x85: {  	_ =	shalt  }
0x86: {  	_ =	shalt  }
0x87: {  	_ =	shalt  }
.Lfunc_end0:
.L_simem_size_0:
called_computation_lowered:
.L_overlay_start_0:
0x88: {  	s2 =	sld [smem:$0x3FD9]  }
0x89: {  	s3 =	sld [smem:$0x3FFE];
	_ =	sdelay $0x1  }
0x8a: {  	s1 =	srdreg.scid  }
0x8b: {  	s0 =	sand.u32 $0x1, s1  }
0x8c: {  	s17 =	sshll.u32 s0, $0xA;
	s2 =	sadd.s32 s3, s2  }
0x8d: {  	s2 =	sadd.s32 s2, s17  }
0x8e: {  	[smem:$0x3FB4] =	sst s2  }
0x8f: {  	_ = 	snop  }
0x90: {  	s2 =	sld [smem:$0x3FD0];
	(tm) =	ssettm $0x1  }
0x91: {  	s18 =	sld [smem:$0x3FFB];
	_ =	sdelay $0x3  }
0x92: {  	_ =	strace s18  }
0x93: {  	s3 =	sld [smem:$0x3FFC];
	_ =	sdelay $0x3  }
0x94: {  	_ =	strace s3  }
0x95: {  	s3 =	sld [smem:$0x3FFD];
	_ =	sdelay $0x3  }
0x96: {  	_ =	strace s3  }
0x97: {  	_ =	strace $0x8FFFFFFF  }
0x98: {  	s19 =	sld [smem:$0x3FDB];
	_ =	sdelay $0x1  }
0x99: {  	s4 =	simm.s32 $_scs_section_size  }
0x9a: {  	s5 =	simm.s32 $_size__tile_overlayer_lowered;
	s6 =	simm.s32 $_tile_overlayer_lowered  }
0x9b: {  	s22 =	simm.s32 $0x1BFF;
	s21 =	sshll.u32 s6, $0x1;
	s3 =	sadd.s32 s4, s19  }
0x9c: {  	s7 =	simm.s32 $0x0;
	s20 =	sshll.u32 s5, $0x1;
	s5 =	sadd.s32 s21, s3  }
0x9d: {  	[timem:s7], [sflag:s22] =	dma.local [hbm:s5], s20  }
0x9e: {  	_ =	swait.ge [sflag:s22], s20  }
0x9f: {  	s4 =	ssub.s32 $0x0, s20;
	[sflag:s22] =	ssyncset.done $0x0  }
0xa0: {  	[sflag:s22] =	ssyncadd.s32 s4;
	_ =	sdelay $0x1  }
0xa1: {  	s23 =	simm.s32 $0x1B8B  }
0xa2: {  	_ =	swait.ge [sflag:s23], $0x1  }
0xa3: {  	[sflag:s23] =	ssyncset.done $0x0  }
0xa4: {  	s25 =	simm.s32 $0x1B8E;
	s24 =	sld [smem:$0x3FFE];
	[sflag:s23] =	ssyncadd.s32 $0xFFFFFFFF  }
0xa5: {  	s26 =	simm.s32 $execute0_lowered;
	[smem:$0x3FD2] =	sst s25  }
0xa6: {  	s5 =	sshll.u32 s26, $0x1;
	_ =	strace $0x80000046;
	[dreg:$0x1] =	wrdreg $0xFFFFFFFF  }
0xa7: {  	s28 =	simm.s32 $_size_execute0_lowered;
	s3 =	sadd.s32 s3, s5;
	[dreg:$0x0] =	wrdreg $0x0  }
0xa8: {  	s5 =	sshll.u32 s28, $0x1;
	[dreg:$0x2] =	wrdreg s3  }
0xa9: {  	[dreg:$0x3] =	wrdreg s5  }
0xaa: {  	[dreg:$0x4] =	wrdreg $0xC0  }
0xab: {  	_ =	task [dreg:s7], $0x5FFFF  }
0xac: {  	[dreg:$0x1] =	wrdreg $0xFFFFFFFF  }
0xad: {  	[dreg:$0x0] =	wrdreg $0x60  }
0xae: {  	[dreg:$0x2] =	wrdreg s24  }
0xaf: {  	[dreg:$0x3] =	wrdreg s2  }
0xb0: {  	[dreg:$0x4] =	wrdreg $0x11D000  }
0xb1: {  	[dreg:$0x5] =	wrdreg $0x9  }
0xb2: {  	_ =	task.clear_ibuf [dreg:s7], $0x6FFFF;
	_ =	strace $0x90000046  }
0xb3: {  	s29 =	simm.s32 $0x9;
	_ =	strace $0x80000048  }
0xb4: {  	_ =	swait.ge [sflag:s29], $0x1  }
0xb5: {  	[sflag:s29] =	ssyncadd.s32 $0xFFFFFFFF  }
0xb6: {  	_ =	strace $0x90000048  }
0xb7: {  	_ =	sfence  }
0xb8: {  	s30 =	sld [smem:$0x0];
	_ =	sdelay $0x2  }
0xb9: {  	s31 =	sshll.u32 s1, $0xD;
	s1 =	sshrl.u32 s1, $0x2  }
0xba: {  	s3 =	sand.u32 $0x4000, s31;
	s1 =	sadd.s32 s1, s30  }
0xbb: {  	s0 =	sor.u32 s3, s0;
	s1 =	sshll.u32 s1, $0x11  }
0xbc: {  	s0 =	sor.u32 s1, s0  }
0xbd: {  	s0 =	sadd.s32 $0x8F2B, s0  }
0xbe: {  	[sflag:s0] =	ssyncadd.remote.s32 $0x1  }
0xbf: {  	_ =	sfence.sel $0xFFFF  }
0xc0: {  	[dreg:$0x0] =	wrdreg $0xFFFFFFFF;
	(pc) =	sbr.abs _section_cstart, $3  }
0xc1: {  	[dreg:$0x1] =	wrdreg $0xFFFFFFFF  }
0xc2: {  	_ =	task.clear_ibuf [dreg:s7], $0x2FFFF;
	_ =	strace $0x9FFFFFFF  }
0xc3: {  	(tm) =	ssettm $0x7FFFFFFF  }
tec
execute0_lowered:
.L_overlay_start_1:
0x0: {  	(tag) =	ssettag $0x1  }
0x1: {  	s0 =	rddreg [dreg:$0x0]  }
0x2: {  	s2 =	rddreg [dreg:$0x2]  }
0x3: {  	s3 =	simm.s32 $0x0;
	s1 =	srdreg.scid;
	s11 =	stileid.u32  }
0x4: {  	s31 =	simm.s32 $0x1;
	s16 =	simm.s32 $0x1E0;
	[smem:$0x7FF] =	sst s3  }
0x5: {  	s1 =	sand.u32 $0x1, s1;
	s5 =	sadd.s32 $0x2200, s0;
	s9 =	smul.u32 $0x2710, s11  }
0x6: {  	s6 =	sadd.s32 $0x9E600, s0;
	s7 =	sadd.s32 $0xA8400, s0;
	s18 =	smul.u32 $0x6400, s11  }
0x7: {  	s0 =	sadd.s32 $0xB2200, s0;
	s23 =	sor.u32 $0x70, s11;
	s4 =	smul.u32 $0x27100, s1  }
0x8: {  	_ =	strace $0x80000047;
	s17 =	ssub.s32 $0x2, s1;
	s1 =	smul.u32 $0x2710, s1  }
0x9: {  	[dreg:$0x4] =	wrdreg s0;
	s10 =	sshrl.u32 s17, $0x1;
	s20 =	sshrl.u32 s18, $0x2  }
0xa: {  	s9 =	sadd.s32 s9, s4;
	[dreg:$0x5] =	wrdreg s1;
	s22 =	sadd.s32 s20, s2  }
0xb: {  	s0 =	ssub.s32 s17, s10;
	s21 =	sadd.s32 $0xA0, s9;
	[dreg:$0x9] =	wrdreg s22  }
0xc: {  	s25 =	smul.u32 $0x6400, s23;
	s0 =	smax.u32 s0, $0x1;
	[dreg:$0x8] =	wrdreg s21  }
0xd: {  	p0 =	sgt.u32 s23, $0x7C;
	s24 =	sadd.s32 $0x19000, s22;
	[dreg:$0xa] =	wrdreg s0  }
0xe: {  	s23 =	simm.s32 $0x7A80;
	s26 =	sadd.s32 $0x32000, s22;
	[dreg:$0xb] =	wrdreg s24  }
0xf: {  	s17 =	simm.s32 $0x2;
	s28 =	sadd.s32 $0x4B000, s22;
	[dreg:$0xc] =	wrdreg s26  }
0x10: {  	s19 =	sshrl.u32 s9, $0x3;
	s29 =	sadd.s32 $0x64000, s22;
	[dreg:$0xd] =	wrdreg s28  }
0x11: {  	s30 =	sadd.s32 $0x7D000, s22;
	s4 =	sadd.s32 $0x96000, s22;
	[dreg:$0xe] =	wrdreg s29  }
.Ltmp0:
0x12: {  	s22 =	simm.s32 $0x6;
	[dreg:$0xf] =	wrdreg s30;
	(pc) =	sbr.rel .LBB2_1-.Ltmp0, $4  }
0x13: {  	s8 =	sadd.s32 s6, s19;
	s1 =	sadd.s32 s7, s19;
	[dreg:$0x10] =	wrdreg s4  }
0x14: {  	v0 =	vimm.f32 $0.0e+00;
	vm0 =	vcmask $0x300;
	vm15 =	vcmask $0x704;
	s0 =	sshrl.u32 s25, $0x2;
	s24 =	simm.s32 $0x5;
	[dreg:$0x6] =	wrdreg s8  }
0x15: {  	vm1 =	vcmask $0xB08;
	vm2 =	vcmask $0xF0C;
	v1 =	vsel vm0, $0x3F800000, v0;
	s26 =	simm.s32 $0x50;
	[dreg:$0x7] =	wrdreg s1;
	s0 =	sadd.s32 s0, s2  }
0x16: {  	v2 =	vsel vm15, $0x3F800000, v0;
	v3 =	vsel vm1, $0x3F800000, v0;
	v4 =	vsel vm2, $0x3F800000, v0;
	s8 =	stileid.u32;
	s1 =	simm.s32 $0x0;
	[dreg:$0x11] =	wrdreg s0  }
.LBB2_21:
0x17: {  	s1 =	rddreg [dreg:$0x12]  }
0x18: {  	s0 =	rddreg [dreg:$0xa];
	s1 =	sadd.s32 $0x1, s1  }
0x19: {  	p1 =	sne.s32 s1, s0  }
.Ltmp1:
0x1a: {  	_ = 	snop;
	(pc) =	sbr.rel @!p1 .LBB2_22-.Ltmp1, $1  }
0x1b: {  	_ =	sdelay $0x3  }
.LBB2_1:
.Ltmp2:
0x1c: {  	(pc) =	sbr.rel .LBB2_2-.Ltmp2, $2  }
0x1d: {  	_ =	sdelay $0x2  }
0x1e: {  	[dreg:$0x12] =	wrdreg s1;
	p2 =	por $0x1, $0x1;
	s0 =	simm.s32 $0x0  }
.LBB2_20:
.Ltmp3:
0x1f: {  	(pc) =	sbr.rel @!p1 .LBB2_21-.Ltmp3, $3  }
0x20: {  	_ =	sdelay $0x1  }
0x21: {  	[bflag:$0x0] =	sbarrier.arrive $0xFFFF  }
0x22: {  	s0 =	simm.s32 $0x4E20;
	p2 =	por $0x0, $0x0  }
.LBB2_2:
0x23: {  	p1 =	por p2, p2;
	s1 =	simm.s32 $0x0;
	s4 =	simm.s32 $0x140  }
.LBB2_3:
0x24: {  	p2 =	sne.s32 s4, $0x62C0;
	[tilespmem:s1+$0x93C0] =	vst v0  }
0x25: {  	[tilespmem:s1+$0x7A80] =	vst v0  }
0x26: {  	[tilespmem:s1+$0x9380] =	vst v0  }
0x27: {  	[tilespmem:s1+$0x7A90] =	vst v0  }
0x28: {  	[tilespmem:s1+$0x9390] =	vst v0  }
.Ltmp4:
0x29: {  	[tilespmem:s1+$0x7AA0] =	vst v0;
	(pc) =	sbr.rel @p2 .LBB2_3-.Ltmp4, $4  }
0x2a: {  	[tilespmem:s1+$0x93A0] =	vst v0  }
0x2b: {  	[tilespmem:s1+$0x7AB0] =	vst v0  }
0x2c: {  	[tilespmem:s1+$0x93B0] =	vst v0  }
0x2d: {  	[tilespmem:s1+$0x7AC0] =	vst v0;
	s1 =	sshra.s32 s4, $0x2;
	s4 =	sadd.s32 $0x140, s4  }
0x2e: {  	[tilespmem:s1+$0x93C0] =	vst v0  }
0x2f: {  	[tilespmem:s1+$0x7A80] =	vst v0  }
0x30: {  	[tilespmem:s1+$0x9380] =	vst v0  }
0x31: {  	[tilespmem:s1+$0x7A90] =	vst v0  }
0x32: {  	[tilespmem:s1+$0x9390] =	vst v0  }
0x33: {  	[tilespmem:s1+$0x7AA0] =	vst v0  }
0x34: {  	[tilespmem:s1+$0x93A0] =	vst v0  }
0x35: {  	[tilespmem:s1+$0x7AB0] =	vst v0  }
0x36: {  	[tilespmem:s1+$0x93B0] =	vst v0  }
0x37: {  	[tilespmem:s1+$0x7AC0] =	vst v0;
	s30 =	rddreg [dreg:$0x9]  }
0x38: {  	[spmem:s30] =	stream.linear.scatter [tilespmem:s23], [sflag:$0x5], $0x1900, $0x38;
	[tilespmem:$0x1E050] =	vst v63  }
0x39: {  	_ =	swait.ge [sflag:s24], $0x1900  }
0x3a: {  	[sflag:s24] =	ssyncset.done $0x0  }
0x3b: {  	s4 =	rddreg [dreg:$0xb];
	[sflag:s24] =	ssyncadd.s32 $0xFFFFE700  }
0x3c: {  	[spmem:s4] =	stream.linear.scatter [tilespmem:s23], [sflag:$0x5], $0x1900, $0x38;
	[tilespmem:$0x1E050] =	vst v63  }
0x3d: {  	_ =	swait.ge [sflag:s24], $0x1900  }
0x3e: {  	[sflag:s24] =	ssyncset.done $0x0  }
0x3f: {  	s10 =	rddreg [dreg:$0xc];
	[sflag:s24] =	ssyncadd.s32 $0xFFFFE700  }
0x40: {  	[spmem:s10] =	stream.linear.scatter [tilespmem:s23], [sflag:$0x5], $0x1900, $0x38;
	[tilespmem:$0x1E050] =	vst v63  }
0x41: {  	_ =	swait.ge [sflag:s24], $0x1900  }
0x42: {  	[sflag:s24] =	ssyncset.done $0x0  }
0x43: {  	s11 =	rddreg [dreg:$0xd];
	[sflag:s24] =	ssyncadd.s32 $0xFFFFE700  }
0x44: {  	[spmem:s11] =	stream.linear.scatter [tilespmem:s23], [sflag:$0x5], $0x1900, $0x38;
	[tilespmem:$0x1E050] =	vst v63  }
0x45: {  	_ =	swait.ge [sflag:s24], $0x1900  }
0x46: {  	[sflag:s24] =	ssyncset.done $0x0  }
0x47: {  	s12 =	rddreg [dreg:$0xe];
	[sflag:s24] =	ssyncadd.s32 $0xFFFFE700  }
0x48: {  	[spmem:s12] =	stream.linear.scatter [tilespmem:s23], [sflag:$0x5], $0x1900, $0x38;
	[tilespmem:$0x1E050] =	vst v63  }
0x49: {  	_ =	swait.ge [sflag:s24], $0x1900  }
0x4a: {  	[sflag:s24] =	ssyncset.done $0x0  }
0x4b: {  	s13 =	rddreg [dreg:$0xf];
	[sflag:s24] =	ssyncadd.s32 $0xFFFFE700  }
0x4c: {  	[spmem:s13] =	stream.linear.scatter [tilespmem:s23], [sflag:$0x5], $0x1900, $0x38;
	[tilespmem:$0x1E050] =	vst v63  }
0x4d: {  	_ =	swait.ge [sflag:s24], $0x1900  }
0x4e: {  	[sflag:s24] =	ssyncset.done $0x0  }
0x4f: {  	s14 =	rddreg [dreg:$0x10];
	[sflag:s24] =	ssyncadd.s32 $0xFFFFE700  }
0x50: {  	[spmem:s14] =	stream.linear.scatter [tilespmem:s23], [sflag:$0x5], $0x1900, $0x38;
	[tilespmem:$0x1E050] =	vst v63  }
0x51: {  	_ =	swait.ge [sflag:s24], $0x1900  }
0x52: {  	[sflag:s24] =	ssyncset.done $0x0  }
0x53: {  	s1 =	simm.s32 @!p0 $0x7A80;
	s4 =	rddreg [dreg:$0x11];
	[sflag:s24] =	ssyncadd.s32 $0xFFFFE700  }
0x54: {  	[spmem:s4] =	stream.linear.scatter @!p0 [tilespmem:s1], [sflag:$0x5], $0x1900, $0x38;
	[tilespmem:$0x1E050] =	vst v63  }
0x55: {  	s1 =	simm.s32 @!p0 $0x5  }
0x56: {  	_ =	swait.ge @!p0 [sflag:s1], $0x1900  }
0x57: {  	[sflag:s1] =	ssyncset.done @!p0 $0x0  }
0x58: {  	[sflag:s1] =	ssyncadd.s32 @!p0 $0xFFFFE700  }
0x59: {  	[bflag:$0x0] =	sbarrier.arrive $0xFFFF  }
0x5a: {  	s10 =	simm.s32 $0x0;
	s15 =	rddreg [dreg:$0x6]  }
0x5b: {  	[tilespmem:s10], [sflag:$0x5] =	stream.linear.gather [hbm4b:s15+s10], $0x50, $0x38;
	[tilespmem:$0x1E050] =	vst v63  }
0x5c: {  	_ =	swait.ge [sflag:s24], $0x50  }
0x5d: {  	[sflag:s24] =	ssyncset.done $0x0  }
0x5e: {  	s19 =	simm.s32 $0xA0;
	s18 =	rddreg [dreg:$0x7];
	[sflag:s24] =	ssyncadd.s32 $0xFFFFFFB0  }
0x5f: {  	[tilespmem:s19], [sflag:$0x5] =	stream.linear.gather [hbm4b:s18+s10], $0x50, $0x38;
	[tilespmem:$0x1E050] =	vst v63  }
0x60: {  	_ =	swait.ge [sflag:s24], $0x50  }
0x61: {  	[sflag:s24] =	ssyncset.done $0x0  }
0x62: {  	[sflag:s24] =	ssyncadd.s32 $0xFFFFFFB0  }
0x63: {  	v5 =	vld [tilespmem:$0x0]  }
0x64: {  	v6 =	vld [tilespmem:$0xA0]  }
0x65: {  	v7 =	vld [tilespmem:$0x10]  }
0x66: {  	s20 =	rddreg [dreg:$0x5];
	v8 =	vld [tilespmem:$0xB0]  }
0x67: {  	s21 =	sadd.s32 s20, s0;
	s25 =	ssub.s32 s0, s20;
	v9 =	vld [tilespmem:$0x20]  }
0x68: {  	s0 =	sadd.s32 $0x2710, s25;
	v10 =	vld [tilespmem:$0xC0];
	v5 =	vadd.s32 s21, v5  }
0x69: {  	[tilespmem:$0x0] =	vst v5;
	v5 =	vadd.s32 s0, v6;
	v6 =	vld [tilespmem:$0x30]  }
0x6a: {  	[tilespmem:$0x140] =	vst v5;
	v5 =	vadd.s32 s21, v7;
	v7 =	vld [tilespmem:$0xD0]  }
0x6b: {  	[tilespmem:$0x10] =	vst v5;
	v5 =	vadd.s32 s0, v8;
	v8 =	vld [tilespmem:$0x40]  }
0x6c: {  	v63 =	vld [tilespmem:$0xE0];
	[tilespmem:$0x150] =	vst v5;
	v5 =	vadd.s32 s21, v9  }
0x6d: {  	[tilespmem:$0x20] =	vst v5;
	v5 =	vadd.s32 s0, v10  }
0x6e: {  	[tilespmem:$0x160] =	vst v5;
	v5 =	vadd.s32 s21, v6  }
0x6f: {  	[tilespmem:$0x30] =	vst v5;
	v5 =	vadd.s32 s0, v7  }
0x70: {  	[tilespmem:$0x170] =	vst v5;
	v5 =	vadd.s32 s21, v8  }
.Ltmp5:
0x71: {  	[tilespmem:$0x40] =	vst v5;
	v5 =	vadd.s32 s0, v63;
	(pc) =	sbr.rel .LBB2_5-.Ltmp5, $4  }
0x72: {  	s28 =	simm.s32 $0x280;
	[tilespmem:$0x180] =	vst v5  }
0x73: {  	[tilespmem:s28], [sflag:$0x1] =	stream.indirect.gather [hbm4b:s5+s26], $0x80, s10, s26, $0xb8;
	[tilespmem:$0x1E050] =	vst v63  }
0x74: {  	s30 =	simm.s32 $0x140;
	s11 =	simm.s32 $0x5280;
	s29 =	rddreg [dreg:$0x1]  }
0x75: {  	v6 =	vmov s0;
	v5 =	vmov s21;
	[tilespmem:s11], [sflag:$0x1] =	stream.indirect.gather [hbm4b:s29+s26], $0x40, s30, s26, $0xb8;
	[tilespmem:$0x1E050] =	vst v63  }
.LBB2_12:
0x76: {  	v33 =	vld [tilespmem:s12+$0xFFFFFFE0];
	_ =	sdelay $0x1  }
0x77: {  	v20 =	vmul.f32 v20, v28  }
0x78: {  	(xrf2) =	vadd.scan.msk.f32 $0xffff, v32  }
0x79: {  	v62 =	vmul.f32 v30, v22;
	(xrf2) =	vadd.scan.msk.f32 $0xffff, v20  }
0x7a: {  	(xrf2) =	vadd.scan.msk.f32 $0xffff, v29;
	v63 =	vmul.f32 v26, v33  }
0x7b: {  	v28, _, _ =	vpop (xrf2);
	(xrf2) =	vadd.scan.msk.f32 $0xffff, v62  }
0x7c: {  	v30 =	vadd.f32 $0.0e+00, v27;
	v32, _, _ =	vpop (xrf2);
	(xrf2) =	vadd.scan.msk.f32 $0xffff, v63  }
0x7d: {  	(erf) = vpow2.f32 v25;
	v34 =	vadd.f32 $0.0e+00, v28  }
0x7e: {  	v29 =	vmul.f32 $1.442695020e+00, v24;
	v24 =	vmul.f32 $1.442695020e+00, v30  }
0x7f: {  	(erf) = vpow2.f32 v31;
	v35, _, _ =	vpop (xrf2);
	v25 =	vmul.f32 $1.442695020e+00, v34;
	v33 =	vadd.f32 $0.0e+00, v32  }
0x80: {  	v36 =	vadd.f32 $0.0e+00, v35;
	v20 =	vbroadcast v29, $0xF;
	v24 =	vbroadcast v24, $0xF  }
0x81: {  	v25 =	vbroadcast v25, $0xF;
	v22 =	vmul.f32 $1.442695020e+00, v33  }
0x82: {  	(erf) = vpow2.f32 v20;
	v20 =	vmul.f32 $1.442695020e+00, v36;
	v37, _, _ =	vpop (xrf2)  }
0x83: {  	(erf) = vpow2.f32 v24;
	v22 =	vbroadcast v22, $0xF;
	v39 =	vadd.f32 $0.0e+00, v37;
	v38, _, _ =	vpop (xrf2)  }
0x84: {  	(erf) = vpow2.f32 v25;
	v20 =	vbroadcast v20, $0xF;
	v40, _, _ =	vpop (xrf2);
	v24 =	vadd.f32 $0.0e+00, v38  }
0x85: {  	(erf) = vpow2.f32 v22;
	v25 =	vmul.f32 $1.442695020e+00, v39;
	v41 =	vadd.f32 $0.0e+00, v40;
	v42, _, _ =	vpop (xrf2)  }
0x86: {  	(erf) = vpow2.f32 v20;
	v24 =	vmul.f32 $1.442695020e+00, v24;
	v44 =	vadd.f32 $0.0e+00, v42;
	v45, _, _ =	vpop (xrf2)  }
0x87: {  	v25 =	vbroadcast v25, $0xF;
	v43 =	vmul.f32 $1.442695020e+00, v41;
	v26 =	vadd.f32 $0.0e+00, v45  }
0x88: {  	v24 =	vbroadcast v24, $0xF;
	v22 =	vmul.f32 $1.442695020e+00, v44  }
0x89: {  	v27 =	vpop (erf);
	(erf) = vpow2.f32 v25;
	v20 =	vbroadcast v43, $0xF  }
0x8a: {  	v22 =	vbroadcast v22, $0xF;
	v46 =	vmul.f32 $1.442695020e+00, v26  }
0x8b: {  	v26 =	vpop (erf);
	(erf) = vpow2.f32 v24  }
0x8c: {  	v47 =	vbroadcast v46, $0xF;
	v24 =	vpop (erf);
	(erf) = vpow2.f32 v20  }
0x8d: {  	v48 =	vpop (erf);
	(erf) = vpow2.f32 v22  }
0x8e: {  	v22 =	vpop (erf);
	(erf) = vpow2.f32 v47  }
0x8f: {  	v20 =	vpop (erf)  }
0x90: {  	v28 =	vpop (erf)  }
0x91: {  	v50 =	vmul.f32 v1, v16;
	v49 =	vpop (erf)  }
0x92: {  	v21 =	vadd.f32 v23, v21;
	v51 =	vmul.f32 v4, v27;
	v52 =	vmul.f32 v3, v24;
	v31 =	vpop (erf)  }
0x93: {  	v17 =	vadd.f32 v17, v50;
	v34 =	vmul.f32 v2, v26;
	v54 =	vmul.f32 v1, v48;
	v53 =	vpop (erf)  }
0x94: {  	v23 =	vadd.f32 v51, v52;
	v55 =	vmul.f32 v4, v22;
	v37 =	vmul.f32 v2, v20;
	v36 =	vpop (erf)  }
0x95: {  	v30 =	vadd.f32 v34, v54;
	v35 =	vmul.f32 v3, v28;
	v57 =	vmul.f32 v1, v49;
	v38 =	vpop (erf)  }
0x96: {  	v17 =	vadd.f32 v23, v17;
	v56 =	vmul.f32 v4, v31;
	v39 =	vmul.f32 v2, v53;
	v40 =	vpop (erf)  }
0x97: {  	v32 =	vadd.f32 v55, v35;
	v58 =	vmul.f32 v3, v36;
	v59 =	vmul.f32 v1, v38;
	v42 =	vpop (erf)  }
0x98: {  	v35 =	vadd.f32 v37, v57;
	v41 =	vmul.f32 v4, v40;
	v43 =	vmul.f32 v3, v42  }
0x99: {  	[tilespmem:s18+$0x20] =	vst v21;
	v30 =	vadd.f32 v32, v30;
	v23 =	vadd.f32 v56, v58  }
0x9a: {  	v63 =	vld [tilespmem:s29+$0x0];
	v60 =	vadd.f32 v39, v59;
	v61 =	vadd.f32 v41, v43  }
0x9b: {  	s1 =	sadd.s32 $0x50, s14;
	[tilespmem:s19+$0x20] =	vst v17;
	v62 =	vadd.f32 v23, v35  }
0x9c: {  	s4 =	sadd.s32 $0x50, s1;
	v37 =	vld [tilespmem:s30+$0x0];
	[tilespmem:s1+$0x20] =	vst v30;
	v21 =	vadd.f32 v61, v60  }
0x9d: {  	s20 =	sadd.s32 $0x50, s4;
	v39 =	vld [tilespmem:s13+$0x0];
	[tilespmem:s4+$0x20] =	vst v62  }
0x9e: {  	v17 =	vld [tilespmem:s15+$0x0];
	[tilespmem:s20+$0x20] =	vst v21  }
0x9f: {  	v13 =	vmul.f32 v63, v13;
	v21 =	vld [tilespmem:s12+$0x0];
	_ =	sdelay $0x1  }
0xa0: {  	[tilespmem:s18+$0xFFFFFFE0] =	vst v13;
	v41 =	vmul.f32 v37, v16  }
0xa1: {  	v45 =	vld [tilespmem:s29+$0x10];
	v43 =	vmul.f32 v39, v48  }
0xa2: {  	[tilespmem:s19+$0xFFFFFFE0] =	vst v41;
	v44 =	vmul.f32 v17, v49  }
0xa3: {  	v46 =	vld [tilespmem:s30+$0x10];
	[tilespmem:s1+$0xFFFFFFE0] =	vst v43;
	v21 =	vmul.f32 v21, v38  }
0xa4: {  	v47 =	vld [tilespmem:s13+$0x10];
	[tilespmem:s4+$0xFFFFFFE0] =	vst v44  }
0xa5: {  	v8 =	vmul.f32 v18, v8;
	v16 =	vld [tilespmem:s15+$0x10];
	[tilespmem:s20+$0xFFFFFFE0] =	vst v21  }
0xa6: {  	v12 =	vmul.f32 v45, v12;
	v48 =	vld [tilespmem:s12+$0x10]  }
0xa7: {  	[tilespmem:s11+$0xFFFFFFF0] =	vst v8  }
0xa8: {  	[tilespmem:s18+$0xFFFFFFF0] =	vst v12;
	v8 =	vmul.f32 v46, v14  }
0xa9: {  	v51 =	vld [tilespmem:s29+$0x20];
	v50 =	vmul.f32 v47, v26  }
0xaa: {  	v49 =	vld [tilespmem:s28+$0x20];
	[tilespmem:s19+$0xFFFFFFF0] =	vst v8;
	v8 =	vmul.f32 v16, v20  }
0xab: {  	v52 =	vld [tilespmem:s30+$0x20];
	[tilespmem:s1+$0xFFFFFFF0] =	vst v50;
	v53 =	vmul.f32 v48, v53  }
0xac: {  	v54 =	vld [tilespmem:s13+$0x20];
	[tilespmem:s4+$0xFFFFFFF0] =	vst v8  }
0xad: {  	v8 =	vld [tilespmem:s15+$0x20];
	[tilespmem:s20+$0xFFFFFFF0] =	vst v53  }
0xae: {  	[tilespmem:s0+$0x0] =	vst v19;
	v55 =	vmul.f32 v51, v15;
	v12 =	vld [tilespmem:s12+$0x20]  }
0xaf: {  	v56 =	vld [tilespmem:s25+$0x30];
	v11 =	vmul.f32 v49, v11  }
0xb0: {  	[tilespmem:s18+$0x0] =	vst v55;
	v57 =	vmul.f32 v52, v24  }
0xb1: {  	v60 =	vld [tilespmem:s29+$0x30];
	[tilespmem:s11+$0x0] =	vst v11;
	v59 =	vmul.f32 v54, v28  }
0xb2: {  	v58 =	vld [tilespmem:s28+$0x30];
	[tilespmem:s19+$0x0] =	vst v57;
	v8 =	vmul.f32 v8, v36  }
0xb3: {  	v11 =	vld [tilespmem:s30+$0x30];
	[tilespmem:s1+$0x0] =	vst v59;
	v12 =	vmul.f32 v12, v42  }
0xb4: {  	v7 =	vmul.f32 v56, v7;
	v13 =	vld [tilespmem:s13+$0x30];
	[tilespmem:s4+$0x0] =	vst v8  }
0xb5: {  	v8 =	vld [tilespmem:s15+$0x30];
	[tilespmem:s20+$0x0] =	vst v12  }
0xb6: {  	[tilespmem:s0+$0x10] =	vst v7;
	v7 =	vmul.f32 v60, v10;
	v12 =	vld [tilespmem:s12+$0x30]  }
0xb7: {  	v9 =	vmul.f32 v58, v9  }
0xb8: {  	[tilespmem:s18+$0x10] =	vst v7;
	v61 =	vmul.f32 v11, v27  }
0xb9: {  	[tilespmem:s11+$0x10] =	vst v9;
	v7 =	vmul.f32 v13, v22  }
0xba: {  	[tilespmem:s19+$0x10] =	vst v61;
	v8 =	vmul.f32 v8, v31  }
0xbb: {  	[tilespmem:s1+$0x10] =	vst v7;
	v7 =	vmul.f32 v12, v40  }
0xbc: {  	[tilespmem:s4+$0x10] =	vst v8  }
0xbd: {  	[tilespmem:s20+$0x10] =	vst v7  }
0xbe: {  	v7 =	vld [tilespmem:$0xF0]  }
0xbf: {  	v8 =	vld [tilespmem:$0x100]  }
0xc0: {  	v9 =	vld [tilespmem:$0x110]  }
0xc1: {  	v62 =	vld [tilespmem:$0x120]  }
0xc2: {  	v63 =	vld [tilespmem:$0x130]  }
0xc3: {  	[tilespmem:$0x230] =	vst v7  }
0xc4: {  	[tilespmem:$0x240] =	vst v8  }
0xc5: {  	[tilespmem:$0x250] =	vst v9  }
0xc6: {  	[tilespmem:$0x260] =	vst v62  }
0xc7: {  	s29 =	simm.s32 $0x230;
	s30 =	simm.s32 $0x9380;
	[tilespmem:$0x270] =	vst v63  }
0xc8: {  	[spmem:s2] =	stream.indirect.scatter.add.f32 [tilespmem:s30], [sflag:$0x4], $0x50, s29, s26, $0xb8;
	[tilespmem:$0x1E050] =	vst v63  }
.LBB2_13:
0xc9: {  	s10 =	sadd.s32 $0x1, s10  }
0xca: {  	p2 =	sne.s32 s10, $0x3F  }
.Ltmp6:
0xcb: {  	_ = 	snop;
	(pc) =	sbr.rel @!p2 .LBB2_14-.Ltmp6, $1  }
0xcc: {  	_ =	sdelay $0x3  }
.LBB2_5:
0xcd: {  	p2 =	seq.s32 s10, $0x0  }
0xce: {  	s0 =	sshllo.u32 @!p2 s10, $0x1  }
0xcf: {  	p3 =	sgt.u32 @!p2 s0, $0x7C  }
0xd0: {  	p4 =	por p2, !p3  }
.Ltmp7:
0xd1: {  	_ = 	snop;
	(pc) =	sbr.rel @!p4 .LBB2_7-.Ltmp7, $4  }
0xd2: {  	s1 =	simm.s32 @!p2 $0x3  }
0xd3: {  	_ =	swait.ge @!p2 [sflag:s1], $0x1900  }
0xd4: {  	[sflag:s1] =	ssyncset.done @!p2 $0x0  }
0xd5: {  	p3 =	por @!p2 $0x0, $0x0;
	[sflag:s1] =	ssyncadd.s32 @!p2 $0xFFFFE700  }
0xd6: {  	s0 =	simm.s32 @p2 $0x1  }
0xd7: {  	s0 =	smul.u32 $0x50, s0;
	_ =	sdelay $0x1  }
0xd8: {  	s0 =	sadd.s32 s9, s0  }
0xd9: {  	s0 =	sshrl.u32 s0, $0x3  }
0xda: {  	s1 =	sadd.s32 s6, s0  }
0xdb: {  	[tilespmem:s26], [sflag:$0x5] =	stream.linear.gather [hbm4b:s1+s3], $0x50, $0x38;
	[tilespmem:$0x1E050] =	vst v63  }
0xdc: {  	_ =	swait.ge [sflag:s24], $0x50  }
0xdd: {  	[sflag:s24] =	ssyncset.done $0x0  }
0xde: {  	s25 =	simm.s32 $0xF0;
	s0 =	sadd.s32 s7, s0;
	[sflag:s24] =	ssyncadd.s32 $0xFFFFFFB0  }
0xdf: {  	[tilespmem:s25], [sflag:$0x5] =	stream.linear.gather [hbm4b:s0+s3], $0x50, $0x38;
	[tilespmem:$0x1E050] =	vst v63  }
0xe0: {  	_ =	swait.ge [sflag:s24], $0x50  }
0xe1: {  	[sflag:s24] =	ssyncset.done $0x0  }
0xe2: {  	[sflag:s24] =	ssyncadd.s32 $0xFFFFFFB0  }
0xe3: {  	v7 =	vld [tilespmem:$0x50]  }
0xe4: {  	v8 =	vld [tilespmem:$0xF0]  }
0xe5: {  	v9 =	vld [tilespmem:$0x60]  }
0xe6: {  	v10 =	vld [tilespmem:$0x100]  }
0xe7: {  	v11 =	vld [tilespmem:$0x70]  }
0xe8: {  	v12 =	vld [tilespmem:$0x110];
	v7 =	vadd.s32 v5, v7  }
0xe9: {  	[tilespmem:$0x50] =	vst v7;
	v7 =	vadd.s32 v6, v8;
	v8 =	vld [tilespmem:$0x80]  }
0xea: {  	v61 =	vld [tilespmem:$0x120];
	[tilespmem:$0x190] =	vst v7;
	v7 =	vadd.s32 v5, v9  }
0xeb: {  	v62 =	vld [tilespmem:$0x90];
	[tilespmem:$0x60] =	vst v7;
	v7 =	vadd.s32 v6, v10  }
0xec: {  	v63 =	vld [tilespmem:$0x130];
	[tilespmem:$0x1A0] =	vst v7;
	v7 =	vadd.s32 v5, v11  }
0xed: {  	[tilespmem:$0x70] =	vst v7;
	v7 =	vadd.s32 v6, v12  }
0xee: {  	[tilespmem:$0x1B0] =	vst v7;
	v7 =	vadd.s32 v5, v8  }
0xef: {  	[tilespmem:$0x80] =	vst v7;
	v7 =	vadd.s32 v6, v61  }
0xf0: {  	[tilespmem:$0x1C0] =	vst v7;
	v7 =	vadd.s32 v5, v62  }
0xf1: {  	[tilespmem:$0x90] =	vst v7;
	v7 =	vadd.s32 v6, v63  }
0xf2: {  	s28 =	simm.s32 $0x2A80;
	s30 =	simm.s32 $0x190;
	[tilespmem:$0x1D0] =	vst v7  }
0xf3: {  	[tilespmem:s28], [sflag:$0x2] =	stream.indirect.gather [hbm4b:s5+s26], $0x80, s26, s26, $0xb8;
	[tilespmem:$0x1E050] =	vst v63  }
0xf4: {  	s4 =	simm.s32 $0x6680;
	p3 =	por $0x1, $0x1;
	s29 =	rddreg [dreg:$0x1]  }
0xf5: {  	[tilespmem:s4], [sflag:$0x2] =	stream.indirect.gather [hbm4b:s29+s26], $0x40, s30, s26, $0xb8;
	[tilespmem:$0x1E050] =	vst v63  }
.LBB2_7:
0xf6: {  	_ =	swait.ge [sflag:s31], $0x2800  }
0xf7: {  	[sflag:s31] =	ssyncset.done $0x0  }
0xf8: {  	[sflag:s31] =	ssyncadd.s32 $0xFFFFD800  }
0xf9: {  	_ =	swait.ge [sflag:s31], $0x1400  }
0xfa: {  	[sflag:s31] =	ssyncset.done $0x0  }
0xfb: {  	s25 =	simm.s32 $0x2C0;
	[sflag:s31] =	ssyncadd.s32 $0xFFFFEC00  }
0xfc: {  	s0 =	simm.s32 $0x0;
	v7 =	vld [tilespmem:s25+$0xFFFFFFD0]  }
0xfd: {  	v8 =	vld [tilespmem:s0+$0x5290];
	_ =	sdelay $0x1  }
0xfe: {  	v9 =	vld [tilespmem:s25+$0xFFFFFFC0]  }
0xff: {  	v10 =	vld [tilespmem:s0+$0x5280]  }
0x100: {  	v11 =	vld [tilespmem:s25+$0xFFFFFFF0]  }
0x101: {  	s28 =	simm.s32 $0x340;
	v12 =	vld [tilespmem:s0+$0x52B0];
	v7 =	vmul.f32 v8, v7  }
0x102: {  	v13 =	vld [tilespmem:s28+$0xFFFFFFD0]  }
0x103: {  	s13 =	simm.s32 $0x40;
	v8 =	vld [tilespmem:s0+$0x52A0];
	(xrf2) =	vadd.scan.msk.f32 $0xffff, v7  }
0x104: {  	v9 =	vmul.f32 v10, v9;
	v7 =	vld [tilespmem:s13+$0x5290]  }
0x105: {  	v10 =	vld [tilespmem:s25+$0xFFFFFFE0]  }
0x106: {  	(xrf2) =	vadd.scan.msk.f32 $0xffff, v9;
	v9 =	vmul.f32 v12, v11;
	_ =	sdelay $0x1  }
0x107: {  	v11 =	vld [tilespmem:s28+$0xFFFFFFC0];
	(xrf2) =	vadd.scan.msk.f32 $0xffff, v9  }
0x108: {  	v9 =	vld [tilespmem:s13+$0x5280];
	v7 =	vmul.f32 v7, v13  }
0x109: {  	v8 =	vmul.f32 v8, v10  }
0x10a: {  	(xrf2) =	vadd.scan.msk.f32 $0xffff, v7;
	v7 =	vld [tilespmem:s28+$0xFFFFFFF0]  }
0x10b: {  	s29 =	simm.s32 $0x3C0;
	(xrf2) =	vadd.scan.msk.f32 $0xffff, v8;
	v8 =	vld [tilespmem:s13+$0x52B0]  }
0x10c: {  	s1 =	simm.s32 $0x80;
	v12 =	vld [tilespmem:s29+$0xFFFFFFD0];
	v10, _, _ =	vpop (xrf2)  }
0x10d: {  	v9 =	vmul.f32 v9, v11;
	v11 =	vld [tilespmem:s1+$0x5290];
	v10 =	vadd.f32 $0.0e+00, v10  }
0x10e: {  	v13 =	vld [tilespmem:s13+$0x52A0]  }
0x10f: {  	v14, _, _ =	vpop (xrf2);
	(xrf2) =	vadd.scan.msk.f32 $0xffff, v9;
	v9 =	vmul.f32 $1.442695020e+00, v10;
	v10 =	vld [tilespmem:s28+$0xFFFFFFE0]  }
0x110: {  	v7 =	vmul.f32 v8, v7  }
0x111: {  	v14 =	vadd.f32 $0.0e+00, v14;
	v8, _, _ =	vpop (xrf2)  }
0x112: {  	v8 =	vadd.f32 $0.0e+00, v8;
	(xrf2) =	vadd.scan.msk.f32 $0xffff, v7;
	v7 =	vmul.f32 v11, v12  }
0x113: {  	v15 =	vld [tilespmem:s29+$0xFFFFFFC0];
	v14 =	vmul.f32 $1.442695020e+00, v14;
	v9 =	vbroadcast v9, $0xF  }
0x114: {  	v11 =	vld [tilespmem:s1+$0x5280];
	v8 =	vmul.f32 $1.442695020e+00, v8;
	v12, _, _ =	vpop (xrf2);
	(xrf2) =	vadd.scan.msk.f32 $0xffff, v7;
	v7 =	vmul.f32 v13, v10  }
0x115: {  	v14 =	vbroadcast v14, $0xF;
	v12 =	vadd.f32 $0.0e+00, v12  }
0x116: {  	(erf) = vpow2.f32 v9;
	v10, _, _ =	vpop (xrf2);
	(xrf2) =	vadd.scan.msk.f32 $0xffff, v7;
	v7 =	vbroadcast v8, $0xF  }
0x117: {  	(erf) = vpow2.f32 v14;
	v8 =	vmul.f32 $1.442695020e+00, v12  }
0x118: {  	v10 =	vadd.f32 $0.0e+00, v10;
	(erf) = vpow2.f32 v7  }
0x119: {  	v9 =	vld [tilespmem:s29+$0xFFFFFFF0];
	v7 =	vbroadcast v8, $0xF;
	v8 =	vmul.f32 v11, v15  }
0x11a: {  	s14 =	simm.s32 $0xC0;
	v13 =	vld [tilespmem:s1+$0x52B0];
	v10 =	vmul.f32 $1.442695020e+00, v10  }
0x11b: {  	s30 =	simm.s32 $0x440;
	v17 =	vld [tilespmem:s14+$0x5290]  }
0x11c: {  	v12 =	vld [tilespmem:s30+$0xFFFFFFD0];
	v14, _, _ =	vpop (xrf2);
	v10 =	vbroadcast v10, $0xF  }
0x11d: {  	v16 =	vld [tilespmem:s1+$0x52A0];
	v14 =	vadd.f32 $0.0e+00, v14;
	(erf) = vpow2.f32 v7;
	(xrf2) =	vadd.scan.msk.f32 $0xffff, v8;
	v8, _, _ =	vpop (xrf2)  }
0x11e: {  	v15 =	vld [tilespmem:s29+$0xFFFFFFE0];
	(erf) = vpow2.f32 v10;
	v8 =	vadd.f32 $0.0e+00, v8  }
0x11f: {  	v11 =	vld [tilespmem:s30+$0xFFFFFFC0];
	v9 =	vmul.f32 v13, v9  }
0x120: {  	v7 =	vld [tilespmem:s14+$0x5280];
	v10 =	vmul.f32 $1.442695020e+00, v14;
	v8 =	vmul.f32 $1.442695020e+00, v8  }
0x121: {  	(xrf2) =	vadd.scan.msk.f32 $0xffff, v9;
	v9 =	vmul.f32 v17, v12;
	v12 =	vld [tilespmem:s30+$0xFFFFFFF0];
	v14 =	vpop (erf)  }
0x122: {  	v17 =	vld [tilespmem:s14+$0x52B0];
	v13, _, _ =	vpop (xrf2);
	v10 =	vbroadcast v10, $0xF;
	v8 =	vbroadcast v8, $0xF  }
0x123: {  	v18 =	vpop (erf);
	(xrf2) =	vadd.scan.msk.f32 $0xffff, v9;
	v9 =	vmul.f32 v16, v15  }
0x124: {  	s13 =	simm.s32 $0x4C0;
	v23 =	vmul.f32 v1, v18;
	(erf) = vpow2.f32 v10;
	v10 =	vadd.f32 $0.0e+00, v13;
	v16, _, _ =	vpop (xrf2)  }
0x125: {  	v20 =	vld [tilespmem:s13+$0xFFFFFFC0];
	v11 =	vmul.f32 v7, v11;
	(xrf2) =	vadd.scan.msk.f32 $0xffff, v9;
	v9 =	vmul.f32 v2, v14;
	v7 =	vpop (erf)  }
0x126: {  	s15 =	simm.s32 $0x100;
	v22 =	vld [tilespmem:s13+$0xFFFFFFD0];
	v10 =	vmul.f32 $1.442695020e+00, v10;
	(erf) = vpow2.f32 v8;
	v8 =	vpop (erf)  }
0x127: {  	v12 =	vmul.f32 v17, v12;
	v16 =	vadd.f32 $0.0e+00, v16;
	(xrf2) =	vadd.scan.msk.f32 $0xffff, v11;
	v11 =	vld [tilespmem:s15+$0x5290];
	v21 =	vmul.f32 v4, v7;
	v19 =	vpop (erf)  }
0x128: {  	v15 =	vld [tilespmem:s14+$0x52A0];
	v10 =	vbroadcast v10, $0xF;
	v24, _, _ =	vpop (xrf2);
	v26 =	vmul.f32 v3, v19  }
0x129: {  	v16 =	vmul.f32 $1.442695020e+00, v16;
	v17 =	vadd.f32 $0.0e+00, v24;
	v24 =	vld [tilespmem:s30+$0xFFFFFFE0]  }
0x12a: {  	v13 =	vld [tilespmem:s15+$0x5280];
	v9 =	vadd.f32 v9, v23;
	(xrf2) =	vadd.scan.msk.f32 $0xffff, v12;
	(erf) = vpow2.f32 v10;
	v10 =	vadd.f32 v21, v26  }
0x12b: {  	v28 =	vld [tilespmem:s15+$0x52B0];
	v16 =	vbroadcast v16, $0xF  }
0x12c: {  	v25 =	vld [tilespmem:s13+$0xFFFFFFF0];
	v11 =	vmul.f32 v11, v22;
	v9 =	vadd.f32 v10, v9  }
0x12d: {  	s0 =	simm.s32 $0x7AA0;
	v27, _, _ =	vpop (xrf2);
	v17 =	vmul.f32 $1.442695020e+00, v17;
	(erf) = vpow2.f32 v16  }
0x12e: {  	v12, _, _ =	vpop (xrf2);
	(xrf2) =	vadd.scan.msk.f32 $0xffff, v11;
	v21 =	vadd.f32 $0.0e+00, v27;
	v11 =	vmul.f32 v15, v24;
	[tilespmem:s0+$0x20] =	vst v9  }
0x12f: {  	v13 =	vmul.f32 v13, v20;
	v23 =	vpop (erf);
	v24 =	vld [tilespmem:s25+$0x0]  }
0x130: {  	v15, _, _ =	vpop (xrf2);
	v10 =	vbroadcast v17, $0xF;
	v21 =	vmul.f32 $1.442695020e+00, v21;
	(xrf2) =	vadd.scan.msk.f32 $0xffff, v11  }
0x131: {  	v20 =	vmul.f32 v28, v25;
	v12 =	vadd.f32 $0.0e+00, v12;
	v17 =	vld [tilespmem:s15+$0x52A0];
	s15 =	simm.s32 $0x540;
	v26, _, _ =	vpop (xrf2)  }
0x132: {  	v22 =	vld [tilespmem:s15+$0xFFFFFFC0];
	v11 =	vadd.f32 $0.0e+00, v26;
	v21 =	vbroadcast v21, $0xF;
	(xrf2) =	vadd.scan.msk.f32 $0xffff, v13;
	v9 =	vpop (erf);
	(erf) = vpow2.f32 v10  }
0x133: {  	s18 =	simm.s32 $0x140;
	v16 =	vmul.f32 v2, v8;
	v15 =	vadd.f32 $0.0e+00, v15;
	v25 =	vld [tilespmem:s15+$0xFFFFFFD0];
	v13 =	vmul.f32 $1.442695020e+00, v12  }
0x134: {  	v26 =	vld [tilespmem:s18+$0x5290];
	(erf) = vpow2.f32 v21;
	v18 =	vmul.f32 v24, v18;
	v24, _, _ =	vpop (xrf2);
	(xrf2) =	vadd.scan.msk.f32 $0xffff, v20  }
0x135: {  	v27 =	vmul.f32 v1, v23;
	v15 =	vmul.f32 $1.442695020e+00, v15;
	v21 =	vld [tilespmem:s18+$0x5280];
	v12 =	vpop (erf)  }
0x136: {  	v31 =	vld [tilespmem:s18+$0x52B0];
	v29 =	vmul.f32 $1.442695020e+00, v11;
	v13 =	vbroadcast v13, $0xF;
	v11 =	vpop (erf)  }
0x137: {  	v30 =	vld [tilespmem:s13+$0xFFFFFFE0];
	v10 =	vmul.f32 v4, v9;
	v20 =	vmul.f32 v3, v11  }
0x138: {  	v16 =	vadd.f32 v16, v27;
	v28 =	vld [tilespmem:s15+$0xFFFFFFF0];
	v24 =	vadd.f32 $0.0e+00, v24  }
0x139: {  	v15 =	vbroadcast v15, $0xF;
	v25 =	vmul.f32 v26, v25;
	v26, _, _ =	vpop (xrf2);
	[tilespmem:s0+$0xFFFFFFE0] =	vst v18;
	v10 =	vadd.f32 v10, v20  }
0x13a: {  	s19 =	simm.s32 $0x180;
	(erf) = vpow2.f32 v13;
	v21 =	vmul.f32 v21, v22;
	v18 =	vld [tilespmem:s25+$0x10];
	v22, _, _ =	vpop (xrf2)  }
0x13b: {  	s12 =	simm.s32 $0x5C0;
	v35 =	vld [tilespmem:s19+$0x5280];
	v27 =	vbroadcast v29, $0xF;
	(erf) = vpow2.f32 v15;
	v16 =	vadd.f32 v10, v16;
	v13 =	vpop (erf)  }
0x13c: {  	s11 =	simm.s32 $0x7AF0;
	v29 =	vld [tilespmem:s12+$0xFFFFFFC0];
	v17 =	vmul.f32 v17, v30;
	(xrf2) =	vadd.scan.msk.f32 $0xffff, v25;
	v15 =	vmul.f32 $1.442695020e+00, v24;
	v24, _, _ =	vpop (xrf2)  }
0x13d: {  	v34 =	vmul.f32 v31, v28;
	v31 =	vld [tilespmem:s19+$0x5290];
	v10 =	vpop (erf);
	[tilespmem:s11+$0x20] =	vst v16  }
0x13e: {  	v15 =	vbroadcast v15, $0xF;
	(erf) = vpow2.f32 v27;
	v16 =	vadd.f32 $0.0e+00, v26;
	v26 =	vld [tilespmem:s28+$0x0];
	v30, _, _ =	vpop (xrf2);
	(xrf2) =	vadd.scan.msk.f32 $0xffff, v17  }
0x13f: {  	v33 =	vmul.f32 v2, v12;
	v28 =	vld [tilespmem:s15+$0xFFFFFFE0];
	v22 =	vadd.f32 $0.0e+00, v22;
	v14 =	vmul.f32 v18, v14  }
0x140: {  	v27 =	vld [tilespmem:s12+$0xFFFFFFD0];
	(erf) = vpow2.f32 v15;
	v15 =	vmul.f32 $1.442695020e+00, v16  }
0x141: {  	v20 =	vld [tilespmem:s18+$0x52A0];
	v29 =	vmul.f32 v35, v29;
	v16 =	vmul.f32 $1.442695020e+00, v22;
	[tilespmem:s0+$0xFFFFFFF0] =	vst v14;
	(xrf2) =	vadd.scan.msk.f32 $0xffff, v21  }
0x142: {  	v24 =	vadd.f32 $0.0e+00, v24;
	v36 =	vmul.f32 v1, v13;
	v18 =	vmul.f32 v4, v10;
	v38 =	vld [tilespmem:s25+$0x20]  }
0x143: {  	v22 =	vld [tilespmem:s12+$0xFFFFFFF0];
	v25 =	vbroadcast v16, $0xF;
	v14 =	vpop (erf);
	v16 =	vmul.f32 v26, v23  }
0x144: {  	v37 =	vmul.f32 $1.442695020e+00, v24;
	v39 =	vbroadcast v15, $0xF;
	v24 =	vadd.f32 $0.0e+00, v30;
	v30 =	vld [tilespmem:s19+$0x52B0];
	(xrf2) =	vadd.scan.msk.f32 $0xffff, v34;
	v15 =	vpop (erf)  }
0x145: {  	v32 =	vmul.f32 v31, v27;
	v23 =	vmul.f32 v3, v15  }
0x146: {  	s20 =	simm.s32 $0x700;
	s1 =	simm.s32 $0x640;
	v27, _, _ =	vpop (xrf2);
	v31 =	vbroadcast v37, $0xF;
	v21 =	vadd.f32 v33, v36;
	(erf) = vpow2.f32 v39;
	v26 =	vld [tilespmem:s19+$0x52A0];
	[tilespmem:s11+$0xFFFFFFE0] =	vst v16  }
0x147: {  	s14 =	simm.s32 $0x7B90;
	s18 =	simm.s32 $0x7B40;
	s19 =	simm.s32 $0x7B90;
	v17 =	vmul.f32 v2, v14;
	v16 =	vpop (erf);
	v23 =	vadd.f32 v18, v23;
	v18 =	vld [tilespmem:s28+$0x10];
	v19 =	vmul.f32 v38, v19  }
.LBB2_8:
0x148: {  	v33 =	vld [tilespmem:s1+$0xFFFFFFC0];
	s4 =	sshra.s32 s20, $0x2;
	p4 =	sne.s32 s20, $0x4F00;
	s20 =	sadd.s32 $0x100, s20;
	(xrf2) =	vadd.scan.msk.f32 $0xffff, v32;
	v20 =	vmul.f32 v20, v28;
	v28, _, _ =	vpop (xrf2);
	(erf) = vpow2.f32 v25;
	v34 =	vmov v11  }
0x149: {  	v35 =	vld [tilespmem:s4+$0x5280];
	v32 =	vmul.f32 v30, v22;
	v22 =	vmul.f32 $1.442695020e+00, v24;
	v30 =	vpop (erf);
	v21 =	vadd.f32 v23, v21;
	[tilespmem:s0+$0x0] =	vst v19  }
0x14a: {  	v11 =	vmov v15;
	(erf) = vpow2.f32 v31;
	v19 =	vmul.f32 v4, v30;
	v23 =	vld [tilespmem:s25+$0x30];
	s25 =	smov.u32 s28;
	s28 =	smov.u32 s29;
	s29 =	smov.u32 s30  }
0x14b: {  	v15 =	vadd.f32 $0.0e+00, v27;
	s30 =	smov.u32 s13;
	s13 =	smov.u32 s15;
	s15 =	smov.u32 s12;
	v36 =	vld [tilespmem:s1+$0xFFFFFFD0];
	v24, _, _ =	vpop (xrf2);
	(xrf2) =	vadd.scan.msk.f32 $0xffff, v20;
	v22 =	vbroadcast v22, $0xF;
	[tilespmem:s18+$0x20] =	vst v21  }
0x14c: {  	s12 =	smov.u32 s1;
	v21 =	vadd.f32 $0.0e+00, v24;
	v24 =	vadd.f32 $0.0e+00, v28;
	v27 =	vld [tilespmem:s28+$0x0];
	v18 =	vmul.f32 v18, v8;
	v8 =	vmovc v12;
	v12 =	vmovc v14  }
0x14d: {  	v38 =	vmul.f32 v1, v16;
	v20 =	vmov v26;
	v37 =	vld [tilespmem:s4+$0x5290];
	(erf) = vpow2.f32 v22  }
0x14e: {  	s14 =	sadd.s32 $0x50, s14;
	v26 =	vmul.f32 $1.442695020e+00, v15;
	v22 =	vld [tilespmem:s1+$0xFFFFFFF0];
	(xrf2) =	vadd.scan.msk.f32 $0xffff, v29;
	v14, _, _ =	vpop (xrf2);
	v25 =	vmul.f32 $1.442695020e+00, v24;
	[tilespmem:s11+$0xFFFFFFF0] =	vst v18  }
0x14f: {  	v18 =	vmul.f32 $1.442695020e+00, v21;
	v24 =	vadd.f32 $0.0e+00, v14;
	v14 =	vpop (erf);
	v39 =	vld [tilespmem:s25+$0x20];
	v21 =	vmul.f32 v23, v7  }
.Ltmp8:
0x150: {  	v23 =	vbroadcast v26, $0xF;
	v7 =	vmovc v9;
	v9 =	vmovc v10;
	v10 =	vmov v30;
	v28 =	vld [tilespmem:s15+$0xFFFFFFE0];
	v25 =	vbroadcast v25, $0xF;
	(pc) =	sbr.rel @p4 .LBB2_8-.Ltmp8, $4  }
0x151: {  	v40 =	vmul.f32 v2, v14;
	v30 =	vld [tilespmem:s4+$0x52B0];
	(xrf2) =	vadd.scan.msk.f32 $0xffff, v32;
	v15 =	vpop (erf);
	v29 =	vmul.f32 v27, v13;
	[tilespmem:s0+$0x10] =	vst v21;
	s0 =	smov.u32 s11;
	s11 =	smov.u32 s18;
	s18 =	smov.u32 s19  }
0x152: {  	v31 =	vbroadcast v18, $0xF;
	v13 =	vmov v16;
	s19 =	smov.u32 s14;
	v27, _, _ =	vpop (xrf2);
	v18 =	vmul.f32 v3, v15  }
0x153: {  	v21 =	vadd.f32 v17, v38;
	v32 =	vmul.f32 v37, v36;
	v26 =	vld [tilespmem:s4+$0x52A0];
	(erf) = vpow2.f32 v23;
	v16 =	vpop (erf);
	[tilespmem:s11+$0xFFFFFFE0] =	vst v29  }
0x154: {  	s1 =	sadd.s32 $0x80, s1;
	v17 =	vmovc v40;
	v29 =	vmul.f32 v35, v33;
	v23 =	vadd.f32 v19, v18;
	v18 =	vld [tilespmem:s28+$0x10];
	v19 =	vmul.f32 v39, v34  }
0x155: {  	v33 =	vld [tilespmem:s12+$0xFFFFFFE0];
	_ =	sdelay $0x1  }
0x156: {  	v20 =	vmul.f32 v20, v28  }
0x157: {  	(xrf2) =	vadd.scan.msk.f32 $0xffff, v32  }
0x158: {  	v62 =	vmul.f32 v30, v22;
	(xrf2) =	vadd.scan.msk.f32 $0xffff, v20  }
0x159: {  	(xrf2) =	vadd.scan.msk.f32 $0xffff, v29;
	v63 =	vmul.f32 v26, v33  }
0x15a: {  	v28, _, _ =	vpop (xrf2);
	(xrf2) =	vadd.scan.msk.f32 $0xffff, v62  }
0x15b: {  	v30 =	vadd.f32 $0.0e+00, v27;
	v32, _, _ =	vpop (xrf2);
	(xrf2) =	vadd.scan.msk.f32 $0xffff, v63  }
0x15c: {  	(erf) = vpow2.f32 v25;
	v34 =	vadd.f32 $0.0e+00, v28  }
0x15d: {  	v29 =	vmul.f32 $1.442695020e+00, v24;
	v24 =	vmul.f32 $1.442695020e+00, v30  }
0x15e: {  	(erf) = vpow2.f32 v31;
	v25 =	vmul.f32 $1.442695020e+00, v34;
	v33 =	vadd.f32 $0.0e+00, v32;
	v35, _, _ =	vpop (xrf2)  }
0x15f: {  	v20 =	vbroadcast v29, $0xF;
	v24 =	vbroadcast v24, $0xF;
	v36 =	vadd.f32 $0.0e+00, v35  }
0x160: {  	v25 =	vbroadcast v25, $0xF;
	v22 =	vmul.f32 $1.442695020e+00, v33  }
0x161: {  	(erf) = vpow2.f32 v20;
	v20 =	vmul.f32 $1.442695020e+00, v36;
	v37, _, _ =	vpop (xrf2)  }
0x162: {  	(erf) = vpow2.f32 v24;
	v22 =	vbroadcast v22, $0xF;
	v39 =	vadd.f32 $0.0e+00, v37;
	v38, _, _ =	vpop (xrf2)  }
0x163: {  	(erf) = vpow2.f32 v25;
	v20 =	vbroadcast v20, $0xF;
	v40, _, _ =	vpop (xrf2);
	v24 =	vadd.f32 $0.0e+00, v38  }
0x164: {  	(erf) = vpow2.f32 v22;
	v25 =	vmul.f32 $1.442695020e+00, v39;
	v41 =	vadd.f32 $0.0e+00, v40;
	v42, _, _ =	vpop (xrf2)  }
0x165: {  	(erf) = vpow2.f32 v20;
	v24 =	vmul.f32 $1.442695020e+00, v24;
	v44 =	vadd.f32 $0.0e+00, v42;
	v45, _, _ =	vpop (xrf2)  }
0x166: {  	v25 =	vbroadcast v25, $0xF;
	v43 =	vmul.f32 $1.442695020e+00, v41;
	v26 =	vadd.f32 $0.0e+00, v45  }
0x167: {  	v24 =	vbroadcast v24, $0xF;
	v22 =	vmul.f32 $1.442695020e+00, v44  }
0x168: {  	v27 =	vpop (erf);
	(erf) = vpow2.f32 v25;
	v20 =	vbroadcast v43, $0xF  }
0x169: {  	v22 =	vbroadcast v22, $0xF;
	v46 =	vmul.f32 $1.442695020e+00, v26  }
0x16a: {  	v26 =	vpop (erf);
	(erf) = vpow2.f32 v24  }
0x16b: {  	v47 =	vbroadcast v46, $0xF;
	v24 =	vpop (erf);
	(erf) = vpow2.f32 v20  }
0x16c: {  	v48 =	vpop (erf);
	(erf) = vpow2.f32 v22  }
0x16d: {  	v22 =	vpop (erf);
	(erf) = vpow2.f32 v47  }
0x16e: {  	v20 =	vpop (erf)  }
0x16f: {  	v28 =	vpop (erf)  }
0x170: {  	v50 =	vmul.f32 v1, v16;
	v49 =	vpop (erf)  }
0x171: {  	v21 =	vadd.f32 v23, v21;
	v51 =	vmul.f32 v4, v27;
	v52 =	vmul.f32 v3, v24;
	v31 =	vpop (erf)  }
0x172: {  	v17 =	vadd.f32 v17, v50;
	v34 =	vmul.f32 v2, v26;
	v54 =	vmul.f32 v1, v48;
	v53 =	vpop (erf)  }
0x173: {  	v23 =	vadd.f32 v51, v52;
	v55 =	vmul.f32 v4, v22;
	v37 =	vmul.f32 v2, v20;
	v36 =	vpop (erf)  }
0x174: {  	v30 =	vadd.f32 v34, v54;
	v35 =	vmul.f32 v3, v28;
	v57 =	vmul.f32 v1, v49;
	v38 =	vpop (erf)  }
0x175: {  	v17 =	vadd.f32 v23, v17;
	v56 =	vmul.f32 v4, v31;
	v39 =	vmul.f32 v2, v53;
	v40 =	vpop (erf)  }
0x176: {  	v32 =	vadd.f32 v55, v35;
	v58 =	vmul.f32 v3, v36;
	v59 =	vmul.f32 v1, v38;
	v42 =	vpop (erf)  }
0x177: {  	v35 =	vadd.f32 v37, v57;
	v41 =	vmul.f32 v4, v40;
	v43 =	vmul.f32 v3, v42  }
0x178: {  	[tilespmem:s18+$0x20] =	vst v21;
	v30 =	vadd.f32 v32, v30;
	v23 =	vadd.f32 v56, v58  }
0x179: {  	v63 =	vld [tilespmem:s29+$0x0];
	v60 =	vadd.f32 v39, v59;
	v61 =	vadd.f32 v41, v43  }
0x17a: {  	s1 =	sadd.s32 $0x50, s14;
	[tilespmem:s19+$0x20] =	vst v17;
	v62 =	vadd.f32 v23, v35  }
0x17b: {  	s4 =	sadd.s32 $0x50, s1;
	v37 =	vld [tilespmem:s30+$0x0];
	[tilespmem:s1+$0x20] =	vst v30;
	v21 =	vadd.f32 v61, v60  }
0x17c: {  	s20 =	sadd.s32 $0x50, s4;
	v39 =	vld [tilespmem:s13+$0x0];
	[tilespmem:s4+$0x20] =	vst v62  }
0x17d: {  	v17 =	vld [tilespmem:s15+$0x0];
	[tilespmem:s20+$0x20] =	vst v21  }
0x17e: {  	v13 =	vmul.f32 v63, v13;
	v21 =	vld [tilespmem:s12+$0x0];
	_ =	sdelay $0x1  }
0x17f: {  	[tilespmem:s18+$0xFFFFFFE0] =	vst v13;
	v41 =	vmul.f32 v37, v16  }
0x180: {  	v45 =	vld [tilespmem:s29+$0x10];
	v43 =	vmul.f32 v39, v48  }
0x181: {  	[tilespmem:s19+$0xFFFFFFE0] =	vst v41;
	v44 =	vmul.f32 v17, v49  }
0x182: {  	v46 =	vld [tilespmem:s30+$0x10];
	[tilespmem:s1+$0xFFFFFFE0] =	vst v43;
	v21 =	vmul.f32 v21, v38  }
0x183: {  	v47 =	vld [tilespmem:s13+$0x10];
	[tilespmem:s4+$0xFFFFFFE0] =	vst v44  }
0x184: {  	v8 =	vmul.f32 v18, v8;
	v16 =	vld [tilespmem:s15+$0x10];
	[tilespmem:s20+$0xFFFFFFE0] =	vst v21  }
0x185: {  	v12 =	vmul.f32 v45, v12;
	v48 =	vld [tilespmem:s12+$0x10]  }
0x186: {  	[tilespmem:s11+$0xFFFFFFF0] =	vst v8  }
0x187: {  	[tilespmem:s18+$0xFFFFFFF0] =	vst v12;
	v8 =	vmul.f32 v46, v14  }
0x188: {  	v51 =	vld [tilespmem:s29+$0x20];
	v50 =	vmul.f32 v47, v26  }
0x189: {  	v49 =	vld [tilespmem:s28+$0x20];
	[tilespmem:s19+$0xFFFFFFF0] =	vst v8;
	v8 =	vmul.f32 v16, v20  }
0x18a: {  	v52 =	vld [tilespmem:s30+$0x20];
	[tilespmem:s1+$0xFFFFFFF0] =	vst v50;
	v53 =	vmul.f32 v48, v53  }
0x18b: {  	v54 =	vld [tilespmem:s13+$0x20];
	[tilespmem:s4+$0xFFFFFFF0] =	vst v8  }
0x18c: {  	v8 =	vld [tilespmem:s15+$0x20];
	[tilespmem:s20+$0xFFFFFFF0] =	vst v53  }
0x18d: {  	[tilespmem:s0+$0x0] =	vst v19;
	v55 =	vmul.f32 v51, v15;
	v12 =	vld [tilespmem:s12+$0x20]  }
0x18e: {  	v56 =	vld [tilespmem:s25+$0x30];
	v11 =	vmul.f32 v49, v11  }
0x18f: {  	[tilespmem:s18+$0x0] =	vst v55;
	v57 =	vmul.f32 v52, v24  }
0x190: {  	v60 =	vld [tilespmem:s29+$0x30];
	[tilespmem:s11+$0x0] =	vst v11;
	v59 =	vmul.f32 v54, v28  }
0x191: {  	v58 =	vld [tilespmem:s28+$0x30];
	[tilespmem:s19+$0x0] =	vst v57;
	v8 =	vmul.f32 v8, v36  }
0x192: {  	v11 =	vld [tilespmem:s30+$0x30];
	[tilespmem:s1+$0x0] =	vst v59;
	v12 =	vmul.f32 v12, v42  }
0x193: {  	v7 =	vmul.f32 v56, v7;
	v13 =	vld [tilespmem:s13+$0x30];
	[tilespmem:s4+$0x0] =	vst v8  }
0x194: {  	v8 =	vld [tilespmem:s15+$0x30];
	[tilespmem:s20+$0x0] =	vst v12  }
0x195: {  	[tilespmem:s0+$0x10] =	vst v7;
	v7 =	vmul.f32 v60, v10;
	v12 =	vld [tilespmem:s12+$0x30]  }
0x196: {  	v9 =	vmul.f32 v58, v9  }
0x197: {  	[tilespmem:s18+$0x10] =	vst v7;
	v61 =	vmul.f32 v11, v27  }
0x198: {  	[tilespmem:s11+$0x10] =	vst v9;
	v7 =	vmul.f32 v13, v22  }
0x199: {  	[tilespmem:s19+$0x10] =	vst v61;
	v8 =	vmul.f32 v8, v31  }
0x19a: {  	[tilespmem:s1+$0x10] =	vst v7;
	v7 =	vmul.f32 v12, v40  }
0x19b: {  	[tilespmem:s4+$0x10] =	vst v8  }
0x19c: {  	[tilespmem:s20+$0x10] =	vst v7  }
0x19d: {  	v7 =	vld [tilespmem:$0xA0]  }
0x19e: {  	v8 =	vld [tilespmem:$0xB0]  }
0x19f: {  	v9 =	vld [tilespmem:$0xC0]  }
0x1a0: {  	v62 =	vld [tilespmem:$0xD0]  }
0x1a1: {  	v63 =	vld [tilespmem:$0xE0]  }
0x1a2: {  	[tilespmem:$0x1E0] =	vst v7  }
.Ltmp9:
0x1a3: {  	[tilespmem:$0x1F0] =	vst v8;
	(pc) =	sbr.rel @!p3 .LBB2_13-.Ltmp9, $4  }
0x1a4: {  	[tilespmem:$0x200] =	vst v9  }
0x1a5: {  	[tilespmem:$0x210] =	vst v62  }
0x1a6: {  	[tilespmem:$0x220] =	vst v63  }
0x1a7: {  	[spmem:s2] =	stream.indirect.scatter.add.f32 [tilespmem:s23], [sflag:$0x3], $0x50, s16, s26, $0xb8;
	[tilespmem:$0x1E050] =	vst v63  }
0x1a8: {  	s0 =	simm.s32 @!p2 $0x4  }
0x1a9: {  	p3 =	seq.s32 @!p2 s10, $0x3E;
	_ =	swait.ge @!p2 [sflag:s0], $0x1900  }
0x1aa: {  	p3 =	por p2, !p3;
	[sflag:s0] =	ssyncset.done @!p2 $0x0  }
0x1ab: {  	[sflag:s0] =	ssyncadd.s32 @!p2 $0xFFFFE700;
	s0 =	smul.u32 @p3 $0xA0, s10  }
0x1ac: {  	s1 =	rddreg @p3 [dreg:$0x8]  }
0x1ad: {  	s0 =	sadd.s32 @p3 s0, s1  }
0x1ae: {  	s0 =	sshrl.u32 @p3 s0, $0x3  }
0x1af: {  	s1 =	sadd.s32 @p3 s6, s0  }
0x1b0: {  	[tilespmem:s3], [sflag:$0x5] =	stream.linear.gather @p3 [hbm4b:s1+s3], $0x50, $0x38;
	[tilespmem:$0x1E050] =	vst v63  }
0x1b1: {  	_ =	swait.ge @p3 [sflag:s24], $0x50  }
0x1b2: {  	[sflag:s24] =	ssyncset.done @p3 $0x0  }
0x1b3: {  	s0 =	sadd.s32 @p3 s7, s0;
	s1 =	simm.s32 @p3 $0xA0;
	[sflag:s24] =	ssyncadd.s32 @p3 $0xFFFFFFB0  }
0x1b4: {  	[tilespmem:s1], [sflag:$0x5] =	stream.linear.gather @p3 [hbm4b:s0+s3], $0x50, $0x38;
	[tilespmem:$0x1E050] =	vst v63  }
0x1b5: {  	_ =	swait.ge @p3 [sflag:s24], $0x50  }
0x1b6: {  	[sflag:s24] =	ssyncset.done @p3 $0x0  }
0x1b7: {  	[sflag:s24] =	ssyncadd.s32 @p3 $0xFFFFFFB0  }
0x1b8: {  	v7 =	vld @p3 [tilespmem:$0x0]  }
0x1b9: {  	v8 =	vld @p3 [tilespmem:$0xA0]  }
0x1ba: {  	v9 =	vld @p3 [tilespmem:$0x10]  }
0x1bb: {  	v10 =	vld @p3 [tilespmem:$0xB0]  }
0x1bc: {  	v11 =	vld @p3 [tilespmem:$0x20]  }
0x1bd: {  	v12 =	vld @p3 [tilespmem:$0xC0];
	v7 =	vadd.s32 @p3 v5, v7  }
0x1be: {  	[tilespmem:$0x0] =	vst @p3 v7;
	v7 =	vadd.s32 @p3 v6, v8;
	v8 =	vld @p3 [tilespmem:$0x30]  }
0x1bf: {  	[tilespmem:$0x140] =	vst @p3 v7;
	v7 =	vadd.s32 @p3 v5, v9;
	v9 =	vld @p3 [tilespmem:$0xD0]  }
0x1c0: {  	[tilespmem:$0x10] =	vst @p3 v7;
	v7 =	vadd.s32 @p3 v6, v10;
	v10 =	vld @p3 [tilespmem:$0x40]  }
0x1c1: {  	[tilespmem:$0x150] =	vst @p3 v7;
	v7 =	vadd.s32 @p3 v5, v11;
	v11 =	vld @p3 [tilespmem:$0xE0]  }
0x1c2: {  	[tilespmem:$0x20] =	vst @p3 v7;
	v7 =	vadd.s32 @p3 v6, v12  }
0x1c3: {  	[tilespmem:$0x160] =	vst @p3 v7;
	v7 =	vadd.s32 @p3 v5, v8  }
0x1c4: {  	[tilespmem:$0x30] =	vst @p3 v7;
	v7 =	vadd.s32 @p3 v6, v9  }
0x1c5: {  	[tilespmem:$0x170] =	vst @p3 v7;
	v7 =	vadd.s32 @p3 v5, v10  }
0x1c6: {  	[tilespmem:$0x40] =	vst @p3 v7;
	v7 =	vadd.s32 @p3 v6, v11  }
0x1c7: {  	s0 =	simm.s32 @p3 $0x280;
	[tilespmem:$0x180] =	vst @p3 v7  }
0x1c8: {  	[tilespmem:s0], [sflag:$0x1] =	stream.indirect.gather @p3 [hbm4b:s5+s26], $0x80, s3, s26, $0xb8;
	[tilespmem:$0x1E050] =	vst v63  }
0x1c9: {  	s4 =	simm.s32 @p3 $0x5280;
	s1 =	simm.s32 @p3 $0x140;
	s0 =	rddreg @p3 [dreg:$0x1]  }
0x1ca: {  	[tilespmem:s4], [sflag:$0x1] =	stream.indirect.gather @p3 [hbm4b:s0+s26], $0x40, s1, s26, $0xb8;
	[tilespmem:$0x1E050] =	vst v63  }
0x1cb: {  	_ =	swait.ge [sflag:s17], $0x2800  }
0x1cc: {  	[sflag:s17] =	ssyncset.done $0x0  }
0x1cd: {  	[sflag:s17] =	ssyncadd.s32 $0xFFFFD800  }
0x1ce: {  	_ =	swait.ge [sflag:s17], $0x1400  }
0x1cf: {  	[sflag:s17] =	ssyncset.done $0x0  }
0x1d0: {  	s25 =	simm.s32 $0x2AC0;
	[sflag:s17] =	ssyncadd.s32 $0xFFFFEC00  }
0x1d1: {  	s11 =	simm.s32 $0x0;
	v7 =	vld [tilespmem:s25+$0xFFFFFFD0]  }
0x1d2: {  	v8 =	vld [tilespmem:s11+$0x6690];
	_ =	sdelay $0x1  }
0x1d3: {  	v9 =	vld [tilespmem:s25+$0xFFFFFFC0]  }
0x1d4: {  	v10 =	vld [tilespmem:s11+$0x6680]  }
0x1d5: {  	v11 =	vld [tilespmem:s25+$0xFFFFFFF0]  }
0x1d6: {  	s28 =	simm.s32 $0x2B40;
	v12 =	vld [tilespmem:s11+$0x66B0];
	v7 =	vmul.f32 v8, v7  }
0x1d7: {  	v13 =	vld [tilespmem:s28+$0xFFFFFFD0]  }
0x1d8: {  	s12 =	simm.s32 $0x40;
	v8 =	vld [tilespmem:s11+$0x66A0];
	(xrf2) =	vadd.scan.msk.f32 $0xffff, v7  }
0x1d9: {  	v9 =	vmul.f32 v10, v9;
	v7 =	vld [tilespmem:s12+$0x6690]  }
0x1da: {  	v10 =	vld [tilespmem:s25+$0xFFFFFFE0]  }
0x1db: {  	(xrf2) =	vadd.scan.msk.f32 $0xffff, v9;
	v9 =	vmul.f32 v12, v11;
	_ =	sdelay $0x1  }
0x1dc: {  	v11 =	vld [tilespmem:s28+$0xFFFFFFC0];
	(xrf2) =	vadd.scan.msk.f32 $0xffff, v9  }
0x1dd: {  	v9 =	vld [tilespmem:s12+$0x6680];
	v7 =	vmul.f32 v7, v13  }
0x1de: {  	v8 =	vmul.f32 v8, v10  }
0x1df: {  	(xrf2) =	vadd.scan.msk.f32 $0xffff, v7;
	v7 =	vld [tilespmem:s28+$0xFFFFFFF0]  }
0x1e0: {  	s29 =	simm.s32 $0x2BC0;
	(xrf2) =	vadd.scan.msk.f32 $0xffff, v8;
	v8 =	vld [tilespmem:s12+$0x66B0]  }
0x1e1: {  	s13 =	simm.s32 $0x80;
	v12 =	vld [tilespmem:s29+$0xFFFFFFD0];
	v10, _, _ =	vpop (xrf2)  }
0x1e2: {  	v9 =	vmul.f32 v9, v11;
	v11 =	vld [tilespmem:s13+$0x6690];
	v10 =	vadd.f32 $0.0e+00, v10  }
0x1e3: {  	v13 =	vld [tilespmem:s12+$0x66A0]  }
0x1e4: {  	v14, _, _ =	vpop (xrf2);
	(xrf2) =	vadd.scan.msk.f32 $0xffff, v9;
	v9 =	vmul.f32 $1.442695020e+00, v10;
	v10 =	vld [tilespmem:s28+$0xFFFFFFE0]  }
0x1e5: {  	v7 =	vmul.f32 v8, v7  }
0x1e6: {  	v14 =	vadd.f32 $0.0e+00, v14;
	v8, _, _ =	vpop (xrf2)  }
0x1e7: {  	v8 =	vadd.f32 $0.0e+00, v8;
	(xrf2) =	vadd.scan.msk.f32 $0xffff, v7;
	v7 =	vmul.f32 v11, v12  }
0x1e8: {  	v15 =	vld [tilespmem:s29+$0xFFFFFFC0];
	v14 =	vmul.f32 $1.442695020e+00, v14;
	v9 =	vbroadcast v9, $0xF  }
0x1e9: {  	v11 =	vld [tilespmem:s13+$0x6680];
	v8 =	vmul.f32 $1.442695020e+00, v8;
	v12, _, _ =	vpop (xrf2);
	(xrf2) =	vadd.scan.msk.f32 $0xffff, v7;
	v7 =	vmul.f32 v13, v10  }
0x1ea: {  	v14 =	vbroadcast v14, $0xF;
	v12 =	vadd.f32 $0.0e+00, v12  }
0x1eb: {  	(erf) = vpow2.f32 v9;
	v10, _, _ =	vpop (xrf2);
	(xrf2) =	vadd.scan.msk.f32 $0xffff, v7;
	v7 =	vbroadcast v8, $0xF  }
0x1ec: {  	(erf) = vpow2.f32 v14;
	v8 =	vmul.f32 $1.442695020e+00, v12  }
0x1ed: {  	v10 =	vadd.f32 $0.0e+00, v10;
	(erf) = vpow2.f32 v7  }
0x1ee: {  	v9 =	vld [tilespmem:s29+$0xFFFFFFF0];
	v7 =	vbroadcast v8, $0xF;
	v8 =	vmul.f32 v11, v15  }
0x1ef: {  	s14 =	simm.s32 $0xC0;
	v13 =	vld [tilespmem:s13+$0x66B0];
	v10 =	vmul.f32 $1.442695020e+00, v10  }
0x1f0: {  	s30 =	simm.s32 $0x2C40;
	v17 =	vld [tilespmem:s14+$0x6690]  }
0x1f1: {  	v12 =	vld [tilespmem:s30+$0xFFFFFFD0];
	v14, _, _ =	vpop (xrf2);
	v10 =	vbroadcast v10, $0xF  }
0x1f2: {  	v16 =	vld [tilespmem:s13+$0x66A0];
	v14 =	vadd.f32 $0.0e+00, v14;
	(erf) = vpow2.f32 v7;
	(xrf2) =	vadd.scan.msk.f32 $0xffff, v8;
	v8, _, _ =	vpop (xrf2)  }
0x1f3: {  	v15 =	vld [tilespmem:s29+$0xFFFFFFE0];
	(erf) = vpow2.f32 v10;
	v8 =	vadd.f32 $0.0e+00, v8  }
0x1f4: {  	v11 =	vld [tilespmem:s30+$0xFFFFFFC0];
	v9 =	vmul.f32 v13, v9  }
0x1f5: {  	v7 =	vld [tilespmem:s14+$0x6680];
	v10 =	vmul.f32 $1.442695020e+00, v14;
	v8 =	vmul.f32 $1.442695020e+00, v8  }
0x1f6: {  	(xrf2) =	vadd.scan.msk.f32 $0xffff, v9;
	v9 =	vmul.f32 v17, v12;
	v12 =	vld [tilespmem:s30+$0xFFFFFFF0];
	v14 =	vpop (erf)  }
0x1f7: {  	v17 =	vld [tilespmem:s14+$0x66B0];
	v13, _, _ =	vpop (xrf2);
	v10 =	vbroadcast v10, $0xF;
	v8 =	vbroadcast v8, $0xF  }
0x1f8: {  	v18 =	vpop (erf);
	(xrf2) =	vadd.scan.msk.f32 $0xffff, v9;
	v9 =	vmul.f32 v16, v15  }
0x1f9: {  	s13 =	simm.s32 $0x2CC0;
	v23 =	vmul.f32 v1, v18;
	(erf) = vpow2.f32 v10;
	v10 =	vadd.f32 $0.0e+00, v13;
	v16, _, _ =	vpop (xrf2)  }
0x1fa: {  	v20 =	vld [tilespmem:s13+$0xFFFFFFC0];
	v11 =	vmul.f32 v7, v11;
	(xrf2) =	vadd.scan.msk.f32 $0xffff, v9;
	v9 =	vmul.f32 v2, v14;
	v7 =	vpop (erf)  }
0x1fb: {  	s15 =	simm.s32 $0x100;
	v22 =	vld [tilespmem:s13+$0xFFFFFFD0];
	v10 =	vmul.f32 $1.442695020e+00, v10;
	(erf) = vpow2.f32 v8;
	v8 =	vpop (erf)  }
0x1fc: {  	v12 =	vmul.f32 v17, v12;
	v16 =	vadd.f32 $0.0e+00, v16;
	(xrf2) =	vadd.scan.msk.f32 $0xffff, v11;
	v11 =	vld [tilespmem:s15+$0x6690];
	v21 =	vmul.f32 v4, v7;
	v19 =	vpop (erf)  }
0x1fd: {  	v15 =	vld [tilespmem:s14+$0x66A0];
	v10 =	vbroadcast v10, $0xF;
	v24, _, _ =	vpop (xrf2);
	v26 =	vmul.f32 v3, v19  }
0x1fe: {  	v16 =	vmul.f32 $1.442695020e+00, v16;
	v17 =	vadd.f32 $0.0e+00, v24;
	v24 =	vld [tilespmem:s30+$0xFFFFFFE0]  }
0x1ff: {  	v13 =	vld [tilespmem:s15+$0x6680];
	v9 =	vadd.f32 v9, v23;
	(xrf2) =	vadd.scan.msk.f32 $0xffff, v12;
	(erf) = vpow2.f32 v10;
	v10 =	vadd.f32 v21, v26  }
0x200: {  	v28 =	vld [tilespmem:s15+$0x66B0];
	v16 =	vbroadcast v16, $0xF  }
0x201: {  	v25 =	vld [tilespmem:s13+$0xFFFFFFF0];
	v11 =	vmul.f32 v11, v22;
	v9 =	vadd.f32 v10, v9  }
0x202: {  	s0 =	simm.s32 $0x93A0;
	v27, _, _ =	vpop (xrf2);
	v17 =	vmul.f32 $1.442695020e+00, v17;
	(erf) = vpow2.f32 v16  }
0x203: {  	v12, _, _ =	vpop (xrf2);
	(xrf2) =	vadd.scan.msk.f32 $0xffff, v11;
	v21 =	vadd.f32 $0.0e+00, v27;
	v11 =	vmul.f32 v15, v24;
	[tilespmem:s0+$0x20] =	vst v9  }
0x204: {  	v13 =	vmul.f32 v13, v20;
	v23 =	vpop (erf);
	v24 =	vld [tilespmem:s25+$0x0]  }
0x205: {  	v15, _, _ =	vpop (xrf2);
	v10 =	vbroadcast v17, $0xF;
	v21 =	vmul.f32 $1.442695020e+00, v21;
	(xrf2) =	vadd.scan.msk.f32 $0xffff, v11  }
0x206: {  	v20 =	vmul.f32 v28, v25;
	v12 =	vadd.f32 $0.0e+00, v12;
	v17 =	vld [tilespmem:s15+$0x66A0];
	s15 =	simm.s32 $0x2D40;
	v26, _, _ =	vpop (xrf2)  }
0x207: {  	v22 =	vld [tilespmem:s15+$0xFFFFFFC0];
	v11 =	vadd.f32 $0.0e+00, v26;
	v21 =	vbroadcast v21, $0xF;
	(xrf2) =	vadd.scan.msk.f32 $0xffff, v13;
	v9 =	vpop (erf);
	(erf) = vpow2.f32 v10  }
0x208: {  	s18 =	simm.s32 $0x140;
	v16 =	vmul.f32 v2, v8;
	v15 =	vadd.f32 $0.0e+00, v15;
	v25 =	vld [tilespmem:s15+$0xFFFFFFD0];
	v13 =	vmul.f32 $1.442695020e+00, v12  }
0x209: {  	v26 =	vld [tilespmem:s18+$0x6690];
	(erf) = vpow2.f32 v21;
	v18 =	vmul.f32 v24, v18;
	v24, _, _ =	vpop (xrf2);
	(xrf2) =	vadd.scan.msk.f32 $0xffff, v20  }
0x20a: {  	v27 =	vmul.f32 v1, v23;
	v15 =	vmul.f32 $1.442695020e+00, v15;
	v21 =	vld [tilespmem:s18+$0x6680];
	v12 =	vpop (erf)  }
0x20b: {  	v31 =	vld [tilespmem:s18+$0x66B0];
	v29 =	vmul.f32 $1.442695020e+00, v11;
	v13 =	vbroadcast v13, $0xF;
	v11 =	vpop (erf)  }
0x20c: {  	v30 =	vld [tilespmem:s13+$0xFFFFFFE0];
	v10 =	vmul.f32 v4, v9;
	v20 =	vmul.f32 v3, v11  }
0x20d: {  	v16 =	vadd.f32 v16, v27;
	v28 =	vld [tilespmem:s15+$0xFFFFFFF0];
	v24 =	vadd.f32 $0.0e+00, v24  }
0x20e: {  	v15 =	vbroadcast v15, $0xF;
	v25 =	vmul.f32 v26, v25;
	v26, _, _ =	vpop (xrf2);
	[tilespmem:s0+$0xFFFFFFE0] =	vst v18;
	v10 =	vadd.f32 v10, v20  }
0x20f: {  	s19 =	simm.s32 $0x180;
	(erf) = vpow2.f32 v13;
	v21 =	vmul.f32 v21, v22;
	v18 =	vld [tilespmem:s25+$0x10];
	v22, _, _ =	vpop (xrf2)  }
0x210: {  	v35 =	vld [tilespmem:s19+$0x6680];
	s12 =	simm.s32 $0x2DC0;
	v27 =	vbroadcast v29, $0xF;
	(erf) = vpow2.f32 v15;
	v16 =	vadd.f32 v10, v16;
	v13 =	vpop (erf)  }
0x211: {  	s11 =	simm.s32 $0x93F0;
	v29 =	vld [tilespmem:s12+$0xFFFFFFC0];
	v17 =	vmul.f32 v17, v30;
	(xrf2) =	vadd.scan.msk.f32 $0xffff, v25;
	v15 =	vmul.f32 $1.442695020e+00, v24;
	v24, _, _ =	vpop (xrf2)  }
0x212: {  	v34 =	vmul.f32 v31, v28;
	v31 =	vld [tilespmem:s19+$0x6690];
	v10 =	vpop (erf);
	[tilespmem:s11+$0x20] =	vst v16  }
0x213: {  	v15 =	vbroadcast v15, $0xF;
	(erf) = vpow2.f32 v27;
	v16 =	vadd.f32 $0.0e+00, v26;
	v26 =	vld [tilespmem:s28+$0x0];
	v30, _, _ =	vpop (xrf2);
	(xrf2) =	vadd.scan.msk.f32 $0xffff, v17  }
0x214: {  	v33 =	vmul.f32 v2, v12;
	v28 =	vld [tilespmem:s15+$0xFFFFFFE0];
	v22 =	vadd.f32 $0.0e+00, v22;
	v14 =	vmul.f32 v18, v14  }
0x215: {  	v27 =	vld [tilespmem:s12+$0xFFFFFFD0];
	(erf) = vpow2.f32 v15;
	v15 =	vmul.f32 $1.442695020e+00, v16  }
0x216: {  	v20 =	vld [tilespmem:s18+$0x66A0];
	v29 =	vmul.f32 v35, v29;
	v16 =	vmul.f32 $1.442695020e+00, v22;
	[tilespmem:s0+$0xFFFFFFF0] =	vst v14;
	(xrf2) =	vadd.scan.msk.f32 $0xffff, v21  }
0x217: {  	v24 =	vadd.f32 $0.0e+00, v24;
	v36 =	vmul.f32 v1, v13;
	v18 =	vmul.f32 v4, v10;
	v38 =	vld [tilespmem:s25+$0x20]  }
0x218: {  	v22 =	vld [tilespmem:s12+$0xFFFFFFF0];
	v25 =	vbroadcast v16, $0xF;
	v14 =	vpop (erf);
	v16 =	vmul.f32 v26, v23  }
0x219: {  	v37 =	vmul.f32 $1.442695020e+00, v24;
	v39 =	vbroadcast v15, $0xF;
	v24 =	vadd.f32 $0.0e+00, v30;
	v30 =	vld [tilespmem:s19+$0x66B0];
	(xrf2) =	vadd.scan.msk.f32 $0xffff, v34;
	v15 =	vpop (erf)  }
0x21a: {  	v32 =	vmul.f32 v31, v27;
	v23 =	vmul.f32 v3, v15  }
0x21b: {  	s20 =	simm.s32 $0x700;
	s1 =	simm.s32 $0x2E40;
	v27, _, _ =	vpop (xrf2);
	v31 =	vbroadcast v37, $0xF;
	v21 =	vadd.f32 v33, v36;
	(erf) = vpow2.f32 v39;
	v26 =	vld [tilespmem:s19+$0x66A0];
	[tilespmem:s11+$0xFFFFFFE0] =	vst v16  }
0x21c: {  	s14 =	simm.s32 $0x9490;
	s18 =	simm.s32 $0x9440;
	s19 =	simm.s32 $0x9490;
	v17 =	vmul.f32 v2, v14;
	v16 =	vpop (erf);
	v23 =	vadd.f32 v18, v23;
	v18 =	vld [tilespmem:s28+$0x10];
	v19 =	vmul.f32 v38, v19  }
.LBB2_11:
0x21d: {  	v33 =	vld [tilespmem:s1+$0xFFFFFFC0];
	s4 =	sshra.s32 s20, $0x2;
	p2 =	sne.s32 s20, $0x4F00;
	s20 =	sadd.s32 $0x100, s20;
	(xrf2) =	vadd.scan.msk.f32 $0xffff, v32;
	v20 =	vmul.f32 v20, v28;
	v28, _, _ =	vpop (xrf2);
	(erf) = vpow2.f32 v25;
	v34 =	vmov v11  }
0x21e: {  	v32 =	vmul.f32 v30, v22;
	v22 =	vmul.f32 $1.442695020e+00, v24;
	v21 =	vadd.f32 v23, v21;
	v35 =	vld [tilespmem:s4+$0x6680];
	v30 =	vpop (erf);
	[tilespmem:s0+$0x0] =	vst v19  }
0x21f: {  	v11 =	vmov v15;
	(erf) = vpow2.f32 v31;
	v19 =	vmul.f32 v4, v30;
	v23 =	vld [tilespmem:s25+$0x30];
	s25 =	smov.u32 s28;
	s28 =	smov.u32 s29;
	s29 =	smov.u32 s30  }
0x220: {  	v15 =	vadd.f32 $0.0e+00, v27;
	v22 =	vbroadcast v22, $0xF;
	s30 =	smov.u32 s13;
	s13 =	smov.u32 s15;
	s15 =	smov.u32 s12;
	v36 =	vld [tilespmem:s1+$0xFFFFFFD0];
	v24, _, _ =	vpop (xrf2);
	(xrf2) =	vadd.scan.msk.f32 $0xffff, v20;
	[tilespmem:s18+$0x20] =	vst v21  }
0x221: {  	v18 =	vmul.f32 v18, v8;
	v8 =	vmovc v12;
	v12 =	vmovc v14;
	s12 =	smov.u32 s1;
	v21 =	vadd.f32 $0.0e+00, v24;
	v24 =	vadd.f32 $0.0e+00, v28;
	v27 =	vld [tilespmem:s28+$0x0]  }
0x222: {  	v38 =	vmul.f32 v1, v16;
	v20 =	vmov v26;
	v37 =	vld [tilespmem:s4+$0x6690];
	(erf) = vpow2.f32 v22  }
0x223: {  	s14 =	sadd.s32 $0x50, s14;
	v26 =	vmul.f32 $1.442695020e+00, v15;
	v22 =	vld [tilespmem:s1+$0xFFFFFFF0];
	(xrf2) =	vadd.scan.msk.f32 $0xffff, v29;
	v14, _, _ =	vpop (xrf2);
	v25 =	vmul.f32 $1.442695020e+00, v24;
	[tilespmem:s11+$0xFFFFFFF0] =	vst v18  }
0x224: {  	v18 =	vmul.f32 $1.442695020e+00, v21;
	v24 =	vadd.f32 $0.0e+00, v14;
	v14 =	vpop (erf);
	v39 =	vld [tilespmem:s25+$0x20];
	v21 =	vmul.f32 v23, v7  }
.Ltmp10:
0x225: {  	v23 =	vbroadcast v26, $0xF;
	v7 =	vmovc v9;
	v9 =	vmovc v10;
	v10 =	vmov v30;
	v28 =	vld [tilespmem:s15+$0xFFFFFFE0];
	v25 =	vbroadcast v25, $0xF;
	(pc) =	sbr.rel @p2 .LBB2_11-.Ltmp10, $4  }
0x226: {  	v40 =	vmul.f32 v2, v14;
	v30 =	vld [tilespmem:s4+$0x66B0];
	(xrf2) =	vadd.scan.msk.f32 $0xffff, v32;
	v15 =	vpop (erf);
	v29 =	vmul.f32 v27, v13;
	[tilespmem:s0+$0x10] =	vst v21;
	s0 =	smov.u32 s11;
	s11 =	smov.u32 s18;
	s18 =	smov.u32 s19  }
0x227: {  	v31 =	vbroadcast v18, $0xF;
	v13 =	vmov v16;
	s19 =	smov.u32 s14;
	v27, _, _ =	vpop (xrf2);
	v18 =	vmul.f32 v3, v15  }
0x228: {  	v21 =	vadd.f32 v17, v38;
	v32 =	vmul.f32 v37, v36;
	v26 =	vld [tilespmem:s4+$0x66A0];
	(erf) = vpow2.f32 v23;
	v16 =	vpop (erf);
	[tilespmem:s11+$0xFFFFFFE0] =	vst v29  }
0x229: {  	s1 =	sadd.s32 $0x80, s1;
	v17 =	vmovc v40;
	v29 =	vmul.f32 v35, v33;
	v23 =	vadd.f32 v19, v18;
	v18 =	vld [tilespmem:s28+$0x10];
	v19 =	vmul.f32 v39, v34  }
.Ltmp11:
0x22a: {  	_ = 	snop;
	(pc) =	sbr.rel .LBB2_12-.Ltmp11, $1  }
0x22b: {  	_ =	sdelay $0x3  }
.LBB2_14:
0x22c: {  	s0 =	simm.s32 $0x4  }
0x22d: {  	_ =	swait.ge [sflag:s0], $0x1900  }
0x22e: {  	[sflag:s0] =	ssyncset.done $0x0  }
0x22f: {  	s30 =	simm.s32 $0x3;
	[sflag:s0] =	ssyncadd.s32 $0xFFFFE700  }
.Ltmp12:
0x230: {  	_ =	swait.ge [sflag:s30], $0x1900;
	(pc) =	sbr.rel .LBB2_15-.Ltmp12, $4  }
0x231: {  	[sflag:s30] =	ssyncset.done $0x0  }
0x232: {  	[sflag:s30] =	ssyncadd.s32 $0xFFFFE700  }
0x233: {  	[bflag:$0x0] =	sbarrier.arrive $0xFFFF  }
0x234: {  	s0 =	simm.s32 $0x0  }
.LBB2_18:
0x235: {  	s1 =	smul.u32 $0xC8, s10;
	_ =	sdelay $0x1  }
0x236: {  	s1 =	sadd.s32 s21, s1  }
0x237: {  	s4 =	rddreg [dreg:$0x4];
	s1 =	sshll.u32 s1, $0x3  }
0x238: {  	[tilespmem:s11+$0xEB30] =	vst v5;
	s30 =	simm.s32 $0xEB00;
	s1 =	sadd.s32 s4, s1  }
0x239: {  	[hbm4b:s1+s3] =	stream.linear.scatter [tilespmem:s30], [sflag:$0x5], $0x3200, $0x38;
	[tilespmem:$0x1E050] =	vst v63  }
0x23a: {  	_ =	swait.ge [sflag:s24], $0x3200  }
0x23b: {  	[sflag:s24] =	ssyncset.done $0x0  }
0x23c: {  	[sflag:s24] =	ssyncadd.s32 $0xFFFFCE00  }
.LBB2_19:
0x23d: {  	s0 =	sadd.s32 $0x1, s0  }
0x23e: {  	p2 =	sne.s32 s0, $0x4  }
.Ltmp13:
0x23f: {  	_ = 	snop;
	(pc) =	sbr.rel @!p2 .LBB2_20-.Ltmp13, $1  }
0x240: {  	_ =	sdelay $0x3  }
.LBB2_15:
0x241: {  	s1 =	sshll.u32 s0, $0x4  }
0x242: {  	s10 =	sor.u32 s8, s1  }
0x243: {  	p2 =	sgt.u32 s10, $0x31  }
.Ltmp14:
0x244: {  	_ = 	snop;
	(pc) =	sbr.rel @p2 .LBB2_19-.Ltmp14, $1  }
0x245: {  	_ =	sdelay $0x3  }
0x246: {  	s1 =	smul.u32 $0xFA00, s10;
	_ =	sdelay $0x1  }
0x247: {  	s1 =	sshra.s32 s1, $0x2  }
0x248: {  	s4 =	simm.s32 $0xAC80;
	s1 =	sadd.s32 s1, s2  }
0x249: {  	[tilespmem:s4], [sflag:$0x6] =	stream.linear.gather [spmem:s1], $0x3E80, $0x38;
	[tilespmem:$0x1E050] =	vst v63  }
0x24a: {  	_ =	swait.ge [sflag:s22], $0x3E80  }
0x24b: {  	[sflag:s22] =	ssyncset.done $0x0  }
0x24c: {  	s1 =	simm.s32 $0xACA0;
	[sflag:s22] =	ssyncadd.s32 $0xFFFFC180  }
0x24d: {  	v5 =	vld [tilespmem:s1+$0x20];
	_ =	sdelay $0x4  }
0x24e: {  	v5 =	vadd.f32 $1.000000020e-16, v5;
	_ =	sdelay $0x1  }
0x24f: {  	(erf) = vrcp.f32 v5;
	_ =	sdelay $0x6  }
0x250: {  	v5 =	vld [tilespmem:s1+$0xFFFFFFE0];
	_ =	sdelay $0x1  }
0x251: {  	v6 =	vpop (erf)  }
0x252: {  	v7 =	vbroadcast v6, $0x0;
	_ =	sdelay $0x1  }
0x253: {  	v5 =	vmul.f32 v7, v5  }
0x254: {  	s11 =	simm.s32 $0x0  }
0x255: {  	[tilespmem:s11+$0xEB00] =	vst v5  }
0x256: {  	v5 =	vld [tilespmem:s1+$0xFFFFFFF0];
	_ =	sdelay $0x2  }
0x257: {  	v7 =	vbroadcast v6, $0x1;
	_ =	sdelay $0x1  }
0x258: {  	v5 =	vmul.f32 v7, v5;
	_ =	sdelay $0x1  }
0x259: {  	[tilespmem:s11+$0xEB10] =	vst v5  }
0x25a: {  	v5 =	vld [tilespmem:s1+$0x0];
	_ =	sdelay $0x2  }
0x25b: {  	v7 =	vbroadcast v6, $0x2;
	_ =	sdelay $0x1  }
0x25c: {  	v5 =	vmul.f32 v5, v7;
	_ =	sdelay $0x1  }
0x25d: {  	[tilespmem:s11+$0xEB20] =	vst v5  }
0x25e: {  	v5 =	vld [tilespmem:s1+$0x10];
	_ =	sdelay $0x2  }
0x25f: {  	v6 =	vbroadcast v6, $0x3;
	_ =	sdelay $0x1  }
0x260: {  	s4 =	simm.s32 $0x100;
	v5 =	vmul.f32 v5, v6  }
.LBB2_17:
0x261: {  	p2 =	sne.s32 s4, $0xC700  }
0x262: {  	[tilespmem:s11+$0xEB30] =	vst v5;
	s1 =	sadd.s32 $0x50, s1;
	s11 =	smov.u32 s4;
	s4 =	sadd.s32 $0x100, s4  }
0x263: {  	v5 =	vld [tilespmem:s1+$0x20];
	_ =	sdelay $0x4  }
0x264: {  	v5 =	vadd.f32 $1.000000020e-16, v5;
	_ =	sdelay $0x1  }
0x265: {  	(erf) = vrcp.f32 v5;
	_ =	sdelay $0x6  }
0x266: {  	v5 =	vld [tilespmem:s1+$0xFFFFFFE0];
	_ =	sdelay $0x1  }
0x267: {  	v6 =	vpop (erf)  }
0x268: {  	v7 =	vbroadcast v6, $0x0;
	_ =	sdelay $0x1  }
0x269: {  	v5 =	vmul.f32 v7, v5  }
0x26a: {  	s11 =	sshra.s32 s11, $0x2  }
0x26b: {  	[tilespmem:s11+$0xEB00] =	vst v5  }
0x26c: {  	v5 =	vld [tilespmem:s1+$0xFFFFFFF0];
	_ =	sdelay $0x2  }
0x26d: {  	v7 =	vbroadcast v6, $0x1;
	_ =	sdelay $0x1  }
0x26e: {  	v5 =	vmul.f32 v7, v5;
	_ =	sdelay $0x1  }
0x26f: {  	[tilespmem:s11+$0xEB10] =	vst v5  }
0x270: {  	v5 =	vld [tilespmem:s1+$0x0];
	_ =	sdelay $0x2  }
0x271: {  	v7 =	vbroadcast v6, $0x2;
	_ =	sdelay $0x1  }
0x272: {  	v5 =	vmul.f32 v5, v7;
	_ =	sdelay $0x1  }
0x273: {  	[tilespmem:s11+$0xEB20] =	vst v5  }
0x274: {  	v5 =	vld [tilespmem:s1+$0x10]  }
.Ltmp15:
0x275: {  	(pc) =	sbr.rel @p2 .LBB2_17-.Ltmp15, $3  }
0x276: {  	_ = 	snop  }
0x277: {  	v6 =	vbroadcast v6, $0x3;
	_ =	sdelay $0x1  }
0x278: {  	v5 =	vmul.f32 v5, v6  }
.Ltmp16:
0x279: {  	_ = 	snop;
	(pc) =	sbr.rel .LBB2_18-.Ltmp16, $1  }
0x27a: {  	_ =	sdelay $0x3  }
.LBB2_22:
0x27b: {  	_ =	sfence.sel $0x180000  }
0x27c: {  	[bflag:$0x0] =	sbarrier.arrive $0xFFFF  }
0x27d: {  	_ =	strace $0x90000047  }
0x27e: {  	[bflag:$0x2] =	sbarrier.arrive $0xFFFF  }
0x27f: {  	p0 =	sne.s32 s8, $0x0;
	s0 =	rddreg [dreg:$0x3]  }
0x280: {  	s0 =	sadd.s32 @!p0 $0x100000, s0  }
0x281: {  	[sflag:s0] =	ssyncadd.tile.s32 @!p0 $0x1;
	_ =	shalt  }
.Lfunc_end2:
_tile_overlayer_lowered:
.L_overlay_start_2:
0x282: {  	(tag) =	ssettag $0x2  }
0x283: {  	s0 =	rddreg [dreg:$0x0];
	s2 =	stileid.u32  }
0x284: {  	s1 =	rddreg [dreg:$0x1];
	p0 =	sne.s32 s2, $0x0  }
0x285: {  	s3 =	rddreg [dreg:$0x2];
	[bflag:$0x3] =	sbarrier.arrive $0xFFFF;
	s2 =	simm.s32 @!p0 $0x1C05  }
0x286: {  	[timem:s3], [sflag:s2] =	dma.local @!p0 [hbm:s0], s1  }
0x287: {  	s0 =	simm.s32 @!p0 $0x5  }
0x288: {  	_ =	swait.ge @!p0 [sflag:s0], s1  }
0x289: {  	s1 =	ssub.s32 @!p0 $0x0, s1;
	[sflag:s0] =	ssyncset.done @!p0 $0x0  }
0x28a: {  	[sflag:s0] =	ssyncadd.s32 @!p0 s1  }
0x28b: {  	[bflag:$0x3] =	sbarrier.arrive $0xFFFF  }
0x28c: {  	_ =	shalt  }

</sc_bundles>
